<compile_context>
chip_gen: v7x
topology: tpu7x:2x2x1
jax: 0.10.2.dev20260603
libtpu: 0.0.44.dev20260713+nightly
codegen_flags: <defaults>
</compile_context>

<pallas_src>
import jax
import jax.numpy as jnp
from jax import lax
from jax.experimental import pallas as pl
from jax.experimental.pallas import tpu as pltpu
from jax.experimental.pallas import tpu_sc as plsc

DEPTH = 1000
BATCH = 16384
NC = 2
NS = 16
L = 16
NW = NC * NS
SPW = BATCH // NW
CHUNK = 128
NCH = SPW // CHUNK
NG = CHUNK // L
BANDS = ((0, 248), (248, 496), (496, 744), (744, 1000))


def _body(x_hbm, out_hbm, idx_v, buf, sem0, sem1, sem2, sem3, sem_i):
    wid = lax.axis_index("s") * NC + lax.axis_index("c")
    base = wid * SPW
    cp_idx = pltpu.make_async_copy(x_hbm.at[pl.ds(base, SPW)], idx_v, sem_i)
    cp_idx.start()

    sems = (sem0, sem1, sem2, sem3)
    zeros = jnp.zeros((L,), jnp.float32)
    ones = jnp.full((L,), 1.0, jnp.float32)
    lane = lax.iota(jnp.int32, L)

    def zfill(r0, r1):
        def zbody(r, carry):
            for j in range(CHUNK // L):
                buf[r, pl.ds(j * L, L)] = zeros
            return carry
        lax.fori_loop(r0, r1, zbody, 0)

    def scatter(ch, val, b):
        lo, hi = BANDS[b]
        lov = jnp.full((L,), lo, jnp.int32)
        hiv = jnp.full((L,), hi, jnp.int32)

        def g_body(g, carry):
            row = idx_v[pl.ds(ch * CHUNK + g * L, L)]
            col = lane + g * L
            mask = (row >= lov) & (row < hiv) if lo else (row < hiv)
            plsc.store_scatter(buf, [row, col], val, mask=mask)
            return carry
        lax.fori_loop(0, NG, g_body, 0)

    def dma(ch, b):
        lo, hi = BANDS[b]
        col0 = base + ch * CHUNK
        return pltpu.make_async_copy(
            buf.at[pl.ds(lo, hi - lo), :],
            out_hbm.at[pl.ds(lo, hi - lo), pl.ds(col0, CHUNK)], sems[b])

    zfill(*BANDS[0])
    cp_idx.wait()
    scatter(0, ones, 0)
    dma(0, 0).start()
    for b in (1, 2, 3):
        zfill(*BANDS[b])
        scatter(0, ones, b)
        dma(0, b).start()

    def ch_body(ch, carry):
        for b in range(4):
            dma(ch - 1, b).wait()
            scatter(ch - 1, zeros, b)
            scatter(ch, ones, b)
            dma(ch, b).start()
        return carry

    lax.fori_loop(1, NCH, ch_body, 0)
    for b in range(4):
        dma(NCH - 1, b).wait()


@jax.jit
def _onehot_t(x):
    mesh = plsc.VectorSubcoreMesh(core_axis_name="c", subcore_axis_name="s")
    k = pl.kernel(
        _body,
        out_type=jax.ShapeDtypeStruct((DEPTH, BATCH), jnp.float32),
        mesh=mesh,
        scratch_types=[
            pltpu.VMEM((SPW,), jnp.int32),
            pltpu.VMEM((DEPTH, CHUNK), jnp.float32),
            pltpu.SemaphoreType.DMA,
            pltpu.SemaphoreType.DMA,
            pltpu.SemaphoreType.DMA,
            pltpu.SemaphoreType.DMA,
            pltpu.SemaphoreType.DMA,
        ],
        compiler_params=pltpu.CompilerParams(
            needs_layout_passes=False,
            use_tc_tiling_on_sc=True,
        ),
    )
    return k(x)


def kernel(X_in, ones):
    return _onehot_t(X_in.astype(jnp.int32)).T

# --- scband reference (transcript-rebuilt; emitter-appended) ---
"""Pipeline reference for scband-one-hot-84009560310031 (READ-ONLY COPY).

The authoritative reference and input builder live on the scoring server;
editing this copy changes nothing except your own understanding.
"""

import jax, jax.numpy as jnp
import numpy as np

DEPTH = 1000
BATCH = 16384

def setup_inputs(seed: int = 0) -> dict:
    key = jax.random.key(seed)
    X_in = jax.random.randint(key, (BATCH,), 0, DEPTH, dtype=jnp.int64 if jax.config.jax_enable_x64 else jnp.int32)
    ones = jnp.eye(DEPTH, dtype=jnp.float32)
    return {"X_in": X_in, "ones": ones}

def reference(X_in, ones):
    # One_Hot.forward: ones.index_select(0, X_in.long())
    idx = X_in.astype(jnp.int32)
    return jnp.take(ones, idx, axis=0)

if __name__ == "__main__":
    import jax
    _d = setup_inputs()
    print(jax.jit(kernel)(*tuple(_d.values())))

</pallas_src>

<mosaic_0001>
#map = affine_map<(d0, d1) -> (0)>
#map1 = affine_map<(d0, d1) -> (0, 0)>
module attributes {stable_mosaic.version = 14 : i64} {
  func.func @_body(%arg0: i32, %arg1: i32, %arg2: memref<16384xi32, #tpu.memory_space<hbm>>, %arg3: memref<1000x16384xf32, #tpu.memory_space<hbm>>, %arg4: memref<512xi32, #tpu.memory_space<vmem>>, %arg5: memref<1000x128xf32, #tpu.memory_space<vmem>>, %arg6: memref<!tpu.dma_semaphore, #tpu.memory_space<semaphore_mem>>, %arg7: memref<!tpu.dma_semaphore, #tpu.memory_space<semaphore_mem>>, %arg8: memref<!tpu.dma_semaphore, #tpu.memory_space<semaphore_mem>>, %arg9: memref<!tpu.dma_semaphore, #tpu.memory_space<semaphore_mem>>, %arg10: memref<!tpu.dma_semaphore, #tpu.memory_space<semaphore_mem>>) attributes {dimension_semantics = [#tpu.dimension_semantics<core_parallel>, #tpu.dimension_semantics<subcore_parallel>], iteration_bounds = array<i64: 2, 16>, scalar_prefetch = 0 : i64, scratch_operands = 7 : i64, tpu.core_type = #tpu.core_type<sc_vector_subcore>, window_params = [{transform_indices = #map}, {transform_indices = #map1}]} {
    %mul3A = arith.constant 2 : i32
    %mul3A_0 = arith.muli %arg1, %mul3A : i32
    %add3A = arith.addi %mul3A_0, %arg0 : i32
    %mul3A_1 = arith.constant 512 : i32
    %mul3A_2 = arith.muli %add3A, %mul3A_1 : i32
    %dma_start3A = tpu.memref_slice %arg2[%mul3A_2] : memref<16384xi32, #tpu.memory_space<hbm>> -> memref<512xi32, #tpu.memory_space<hbm>>
    %dma_start3A_3 = tpu.memref_slice %arg2[%mul3A_2] : memref<16384xi32, #tpu.memory_space<hbm>> -> memref<512xi32, #tpu.memory_space<hbm>>
    tpu.enqueue_dma source(%dma_start3A_3 : memref<512xi32, #tpu.memory_space<hbm>>) target(%arg4 : memref<512xi32, #tpu.memory_space<vmem>>) target_semaphore(%arg10 : memref<!tpu.dma_semaphore, #tpu.memory_space<semaphore_mem>>)
    %broadcast_in_dim3A = arith.constant 0.000000e+00 : f32
    %broadcast_in_dim3A_4 = vector.broadcast %broadcast_in_dim3A : f32 to vector<16xf32>
    %broadcast_in_dim3A_5 = arith.constant 1.000000e+00 : f32
    %broadcast_in_dim3A_6 = vector.broadcast %broadcast_in_dim3A_5 : f32 to vector<16xf32>
    %iota3A = tpu.iota {dimensions = array<i32: 0>} : vector<16xi32>
    %scan3A = arith.constant 0 : i32
    %scan3A_7 = arith.constant 0 : i32
    %scan3A_8 = arith.constant 248 : i32
    %scan3A_9 = arith.addi %scan3A_7, %scan3A_8 : i32
    %scan3A_10 = arith.constant 1 : i32
    scf.for %scan3A_173 = %scan3A_7 to %scan3A_9 step %scan3A_10  : i32 {
      %swap3A = arith.index_cast %scan3A_173 : i32 to index
      %swap3A_174 = arith.constant 0 : index
      %swap3A_175 = tpu.vector_load %arg5[%swap3A, %swap3A_174] {strides = array<i32>} : memref<1000x128xf32, #tpu.memory_space<vmem>>, vector<16xf32>,
      tpu.vector_store %arg5[%swap3A, %swap3A_174], %broadcast_in_dim3A_4 {strides = array<i32>} : memref<1000x128xf32, #tpu.memory_space<vmem>>, vector<16xf32>,
      %swap3A_176 = arith.index_cast %scan3A_173 : i32 to index
      %swap3A_177 = arith.constant 16 : index
      %swap3A_178 = tpu.vector_load %arg5[%swap3A_176, %swap3A_177] {strides = array<i32>} : memref<1000x128xf32, #tpu.memory_space<vmem>>, vector<16xf32>,
      tpu.vector_store %arg5[%swap3A_176, %swap3A_177], %broadcast_in_dim3A_4 {strides = array<i32>} : memref<1000x128xf32, #tpu.memory_space<vmem>>, vector<16xf32>,
      %swap3A_179 = arith.index_cast %scan3A_173 : i32 to index
      %swap3A_180 = arith.constant 32 : index
      %swap3A_181 = tpu.vector_load %arg5[%swap3A_179, %swap3A_180] {strides = array<i32>} : memref<1000x128xf32, #tpu.memory_space<vmem>>, vector<16xf32>,
      tpu.vector_store %arg5[%swap3A_179, %swap3A_180], %broadcast_in_dim3A_4 {strides = array<i32>} : memref<1000x128xf32, #tpu.memory_space<vmem>>, vector<16xf32>,
      %swap3A_182 = arith.index_cast %scan3A_173 : i32 to index
      %swap3A_183 = arith.constant 48 : index
      %swap3A_184 = tpu.vector_load %arg5[%swap3A_182, %swap3A_183] {strides = array<i32>} : memref<1000x128xf32, #tpu.memory_space<vmem>>, vector<16xf32>,
      tpu.vector_store %arg5[%swap3A_182, %swap3A_183], %broadcast_in_dim3A_4 {strides = array<i32>} : memref<1000x128xf32, #tpu.memory_space<vmem>>, vector<16xf32>,
      %swap3A_185 = arith.index_cast %scan3A_173 : i32 to index
      %swap3A_186 = arith.constant 64 : index
      %swap3A_187 = tpu.vector_load %arg5[%swap3A_185, %swap3A_186] {strides = array<i32>} : memref<1000x128xf32, #tpu.memory_space<vmem>>, vector<16xf32>,
      tpu.vector_store %arg5[%swap3A_185, %swap3A_186], %broadcast_in_dim3A_4 {strides = array<i32>} : memref<1000x128xf32, #tpu.memory_space<vmem>>, vector<16xf32>,
      %swap3A_188 = arith.index_cast %scan3A_173 : i32 to index
      %swap3A_189 = arith.constant 80 : index
      %swap3A_190 = tpu.vector_load %arg5[%swap3A_188, %swap3A_189] {strides = array<i32>} : memref<1000x128xf32, #tpu.memory_space<vmem>>, vector<16xf32>,
      tpu.vector_store %arg5[%swap3A_188, %swap3A_189], %broadcast_in_dim3A_4 {strides = array<i32>} : memref<1000x128xf32, #tpu.memory_space<vmem>>, vector<16xf32>,
      %swap3A_191 = arith.index_cast %scan3A_173 : i32 to index
      %swap3A_192 = arith.constant 96 : index
      %swap3A_193 = tpu.vector_load %arg5[%swap3A_191, %swap3A_192] {strides = array<i32>} : memref<1000x128xf32, #tpu.memory_space<vmem>>, vector<16xf32>,
      tpu.vector_store %arg5[%swap3A_191, %swap3A_192], %broadcast_in_dim3A_4 {strides = array<i32>} : memref<1000x128xf32, #tpu.memory_space<vmem>>, vector<16xf32>,
      %swap3A_194 = arith.index_cast %scan3A_173 : i32 to index
      %swap3A_195 = arith.constant 112 : index
      %swap3A_196 = tpu.vector_load %arg5[%swap3A_194, %swap3A_195] {strides = array<i32>} : memref<1000x128xf32, #tpu.memory_space<vmem>>, vector<16xf32>,
      tpu.vector_store %arg5[%swap3A_194, %swap3A_195], %broadcast_in_dim3A_4 {strides = array<i32>} : memref<1000x128xf32, #tpu.memory_space<vmem>>, vector<16xf32>,
    }
    %scan3A_11 = arith.constant 248 : i32
    %dma_wait3A = tpu.memref_slice %arg2[%mul3A_2] : memref<16384xi32, #tpu.memory_space<hbm>> -> memref<512xi32, #tpu.memory_space<hbm>>
    %dma_wait3A_12 = tpu.memref_slice %arg2[%mul3A_2] : memref<16384xi32, #tpu.memory_space<hbm>> -> memref<512xi32, #tpu.memory_space<hbm>>
    tpu.wait_dma2 semaphore(%arg10 : memref<!tpu.dma_semaphore, #tpu.memory_space<semaphore_mem>>) src(%dma_wait3A_12 : memref<512xi32, #tpu.memory_space<hbm>>) dst(%arg4 : memref<512xi32, #tpu.memory_space<vmem>>)
    %broadcast_in_dim3A_13 = arith.constant 0 : i32
    %broadcast_in_dim3A_14 = vector.broadcast %broadcast_in_dim3A_13 : i32 to vector<16xi32>
    %broadcast_in_dim3A_15 = arith.constant 248 : i32
    %broadcast_in_dim3A_16 = vector.broadcast %broadcast_in_dim3A_15 : i32 to vector<16xi32>
    %scan3A_17 = arith.constant 0 : i32
    %scan3A_18 = arith.constant 0 : i32
    %scan3A_19 = arith.constant 8 : i32
    %scan3A_20 = arith.addi %scan3A_18, %scan3A_19 : i32
    %scan3A_21 = arith.constant 1 : i32
    scf.for %scan3A_173 = %scan3A_18 to %scan3A_20 step %scan3A_21  : i32 {
      %mul3A_174 = arith.constant 16 : i32
      %mul3A_175 = arith.muli %scan3A_173, %mul3A_174 : i32
      %add3A_176 = arith.constant 0 : i32
      %add3A_177 = arith.addi %add3A_176, %mul3A_175 : i32
      %get3A = arith.index_cast %add3A_177 : i32 to index
      %get3A_178 = tpu.vector_load %arg4[%get3A] {strides = array<i32>} : memref<512xi32, #tpu.memory_space<vmem>>, vector<16xi32>,
      %mul3A_179 = arith.constant 16 : i32
      %mul3A_180 = arith.muli %scan3A_173, %mul3A_179 : i32
      %add3A_181 = vector.broadcast %mul3A_180 : i32 to vector<16xi32>
      %add3A_182 = arith.addi %iota3A, %add3A_181 : vector<16xi32>
      %lt3A = arith.cmpi slt, %get3A_178, %broadcast_in_dim3A_16 : vector<16xi32>
      tpu.vector_store_idx %arg5[%get3A_178, %add3A_182], %broadcast_in_dim3A_6 masked %lt3A : memref<1000x128xf32, #tpu.memory_space<vmem>>[vector<16xi32>, vector<16xi32>], vector<16xf32>, vector<16xi1>
    }
    %scan3A_22 = arith.constant 8 : i32
    %add3A_23 = arith.constant 0 : i32
    %add3A_24 = arith.addi %mul3A_2, %add3A_23 : i32
    %dma_start3A_25 = arith.constant 0 : i32
    %dma_start3A_26 = arith.constant 0 : i32
    %dma_start3A_27 = tpu.memref_slice %arg5[%dma_start3A_25, %dma_start3A_26] : memref<1000x128xf32, #tpu.memory_space<vmem>> -> memref<248x128xf32, #tpu.memory_space<vmem>>
    %dma_start3A_28 = arith.constant 0 : i32
    %dma_start3A_29 = tpu.memref_slice %arg3[%dma_start3A_28, %add3A_24] : memref<1000x16384xf32, #tpu.memory_space<hbm>> -> memref<248x128xf32, #tpu.memory_space<hbm>>
    %dma_start3A_30 = arith.constant 0 : i32
    %dma_start3A_31 = tpu.memref_slice %arg3[%dma_start3A_30, %add3A_24] : memref<1000x16384xf32, #tpu.memory_space<hbm>> -> memref<248x128xf32, #tpu.memory_space<hbm>>
    %dma_start3A_32 = arith.constant 0 : i32
    %dma_start3A_33 = arith.constant 0 : i32
    %dma_start3A_34 = tpu.memref_slice %arg5[%dma_start3A_32, %dma_start3A_33] : memref<1000x128xf32, #tpu.memory_space<vmem>> -> memref<248x128xf32, #tpu.memory_space<vmem>>
    tpu.enqueue_dma source(%dma_start3A_34 : memref<248x128xf32, #tpu.memory_space<vmem>>) target(%dma_start3A_31 : memref<248x128xf32, #tpu.memory_space<hbm>>) target_semaphore(%arg6 : memref<!tpu.dma_semaphore, #tpu.memory_space<semaphore_mem>>)
    %scan3A_35 = arith.constant 0 : i32
    %scan3A_36 = arith.constant 248 : i32
    %scan3A_37 = arith.constant 248 : i32
    %scan3A_38 = arith.addi %scan3A_36, %scan3A_37 : i32
    %scan3A_39 = arith.constant 1 : i32
    scf.for %scan3A_173 = %scan3A_36 to %scan3A_38 step %scan3A_39  : i32 {
      %swap3A = arith.index_cast %scan3A_173 : i32 to index
      %swap3A_174 = arith.constant 0 : index
      %swap3A_175 = tpu.vector_load %arg5[%swap3A, %swap3A_174] {strides = array<i32>} : memref<1000x128xf32, #tpu.memory_space<vmem>>, vector<16xf32>,
      tpu.vector_store %arg5[%swap3A, %swap3A_174], %broadcast_in_dim3A_4 {strides = array<i32>} : memref<1000x128xf32, #tpu.memory_space<vmem>>, vector<16xf32>,
      %swap3A_176 = arith.index_cast %scan3A_173 : i32 to index
      %swap3A_177 = arith.constant 16 : index
      %swap3A_178 = tpu.vector_load %arg5[%swap3A_176, %swap3A_177] {strides = array<i32>} : memref<1000x128xf32, #tpu.memory_space<vmem>>, vector<16xf32>,
      tpu.vector_store %arg5[%swap3A_176, %swap3A_177], %broadcast_in_dim3A_4 {strides = array<i32>} : memref<1000x128xf32, #tpu.memory_space<vmem>>, vector<16xf32>,
      %swap3A_179 = arith.index_cast %scan3A_173 : i32 to index
      %swap3A_180 = arith.constant 32 : index
      %swap3A_181 = tpu.vector_load %arg5[%swap3A_179, %swap3A_180] {strides = array<i32>} : memref<1000x128xf32, #tpu.memory_space<vmem>>, vector<16xf32>,
      tpu.vector_store %arg5[%swap3A_179, %swap3A_180], %broadcast_in_dim3A_4 {strides = array<i32>} : memref<1000x128xf32, #tpu.memory_space<vmem>>, vector<16xf32>,
      %swap3A_182 = arith.index_cast %scan3A_173 : i32 to index
      %swap3A_183 = arith.constant 48 : index
      %swap3A_184 = tpu.vector_load %arg5[%swap3A_182, %swap3A_183] {strides = array<i32>} : memref<1000x128xf32, #tpu.memory_space<vmem>>, vector<16xf32>,
      tpu.vector_store %arg5[%swap3A_182, %swap3A_183], %broadcast_in_dim3A_4 {strides = array<i32>} : memref<1000x128xf32, #tpu.memory_space<vmem>>, vector<16xf32>,
      %swap3A_185 = arith.index_cast %scan3A_173 : i32 to index
      %swap3A_186 = arith.constant 64 : index
      %swap3A_187 = tpu.vector_load %arg5[%swap3A_185, %swap3A_186] {strides = array<i32>} : memref<1000x128xf32, #tpu.memory_space<vmem>>, vector<16xf32>,
      tpu.vector_store %arg5[%swap3A_185, %swap3A_186], %broadcast_in_dim3A_4 {strides = array<i32>} : memref<1000x128xf32, #tpu.memory_space<vmem>>, vector<16xf32>,
      %swap3A_188 = arith.index_cast %scan3A_173 : i32 to index
      %swap3A_189 = arith.constant 80 : index
      %swap3A_190 = tpu.vector_load %arg5[%swap3A_188, %swap3A_189] {strides = array<i32>} : memref<1000x128xf32, #tpu.memory_space<vmem>>, vector<16xf32>,
      tpu.vector_store %arg5[%swap3A_188, %swap3A_189], %broadcast_in_dim3A_4 {strides = array<i32>} : memref<1000x128xf32, #tpu.memory_space<vmem>>, vector<16xf32>,
      %swap3A_191 = arith.index_cast %scan3A_173 : i32 to index
      %swap3A_192 = arith.constant 96 : index
      %swap3A_193 = tpu.vector_load %arg5[%swap3A_191, %swap3A_192] {strides = array<i32>} : memref<1000x128xf32, #tpu.memory_space<vmem>>, vector<16xf32>,
      tpu.vector_store %arg5[%swap3A_191, %swap3A_192], %broadcast_in_dim3A_4 {strides = array<i32>} : memref<1000x128xf32, #tpu.memory_space<vmem>>, vector<16xf32>,
      %swap3A_194 = arith.index_cast %scan3A_173 : i32 to index
      %swap3A_195 = arith.constant 112 : index
      %swap3A_196 = tpu.vector_load %arg5[%swap3A_194, %swap3A_195] {strides = array<i32>} : memref<1000x128xf32, #tpu.memory_space<vmem>>, vector<16xf32>,
      tpu.vector_store %arg5[%swap3A_194, %swap3A_195], %broadcast_in_dim3A_4 {strides = array<i32>} : memref<1000x128xf32, #tpu.memory_space<vmem>>, vector<16xf32>,
    }
    %scan3A_40 = arith.constant 248 : i32
    %broadcast_in_dim3A_41 = arith.constant 248 : i32
    %broadcast_in_dim3A_42 = vector.broadcast %broadcast_in_dim3A_41 : i32 to vector<16xi32>
    %broadcast_in_dim3A_43 = arith.constant 496 : i32
    %broadcast_in_dim3A_44 = vector.broadcast %broadcast_in_dim3A_43 : i32 to vector<16xi32>
    %scan3A_45 = arith.constant 0 : i32
    %scan3A_46 = arith.constant 0 : i32
    %scan3A_47 = arith.constant 8 : i32
    %scan3A_48 = arith.addi %scan3A_46, %scan3A_47 : i32
    %scan3A_49 = arith.constant 1 : i32
    scf.for %scan3A_173 = %scan3A_46 to %scan3A_48 step %scan3A_49  : i32 {
      %mul3A_174 = arith.constant 16 : i32
      %mul3A_175 = arith.muli %scan3A_173, %mul3A_174 : i32
      %add3A_176 = arith.constant 0 : i32
      %add3A_177 = arith.addi %add3A_176, %mul3A_175 : i32
      %get3A = arith.index_cast %add3A_177 : i32 to index
      %get3A_178 = tpu.vector_load %arg4[%get3A] {strides = array<i32>} : memref<512xi32, #tpu.memory_space<vmem>>, vector<16xi32>,
      %mul3A_179 = arith.constant 16 : i32
      %mul3A_180 = arith.muli %scan3A_173, %mul3A_179 : i32
      %add3A_181 = vector.broadcast %mul3A_180 : i32 to vector<16xi32>
      %add3A_182 = arith.addi %iota3A, %add3A_181 : vector<16xi32>
      %ge3A = arith.cmpi sge, %get3A_178, %broadcast_in_dim3A_42 : vector<16xi32>
      %lt3A = arith.cmpi slt, %get3A_178, %broadcast_in_dim3A_44 : vector<16xi32>
      %and3A = arith.andi %ge3A, %lt3A : vector<16xi1>
      tpu.vector_store_idx %arg5[%get3A_178, %add3A_182], %broadcast_in_dim3A_6 masked %and3A : memref<1000x128xf32, #tpu.memory_space<vmem>>[vector<16xi32>, vector<16xi32>], vector<16xf32>, vector<16xi1>
    }
    %scan3A_50 = arith.constant 8 : i32
    %add3A_51 = arith.constant 0 : i32
    %add3A_52 = arith.addi %mul3A_2, %add3A_51 : i32
    %dma_start3A_53 = arith.constant 248 : i32
    %dma_start3A_54 = arith.constant 0 : i32
    %dma_start3A_55 = tpu.memref_slice %arg5[%dma_start3A_53, %dma_start3A_54] : memref<1000x128xf32, #tpu.memory_space<vmem>> -> memref<248x128xf32, #tpu.memory_space<vmem>>
    %dma_start3A_56 = arith.constant 248 : i32
    %dma_start3A_57 = tpu.memref_slice %arg3[%dma_start3A_56, %add3A_52] : memref<1000x16384xf32, #tpu.memory_space<hbm>> -> memref<248x128xf32, #tpu.memory_space<hbm>>
    %dma_start3A_58 = arith.constant 248 : i32
    %dma_start3A_59 = tpu.memref_slice %arg3[%dma_start3A_58, %add3A_52] : memref<1000x16384xf32, #tpu.memory_space<hbm>> -> memref<248x128xf32, #tpu.memory_space<hbm>>
    %dma_start3A_60 = arith.constant 248 : i32
    %dma_start3A_61 = arith.constant 0 : i32
    %dma_start3A_62 = tpu.memref_slice %arg5[%dma_start3A_60, %dma_start3A_61] : memref<1000x128xf32, #tpu.memory_space<vmem>> -> memref<248x128xf32, #tpu.memory_space<vmem>>
    tpu.enqueue_dma source(%dma_start3A_62 : memref<248x128xf32, #tpu.memory_space<vmem>>) target(%dma_start3A_59 : memref<248x128xf32, #tpu.memory_space<hbm>>) target_semaphore(%arg7 : memref<!tpu.dma_semaphore, #tpu.memory_space<semaphore_mem>>)
    %scan3A_63 = arith.constant 0 : i32
    %scan3A_64 = arith.constant 496 : i32
    %scan3A_65 = arith.constant 248 : i32
    %scan3A_66 = arith.addi %scan3A_64, %scan3A_65 : i32
    %scan3A_67 = arith.constant 1 : i32
    scf.for %scan3A_173 = %scan3A_64 to %scan3A_66 step %scan3A_67  : i32 {
      %swap3A = arith.index_cast %scan3A_173 : i32 to index
      %swap3A_174 = arith.constant 0 : index
      %swap3A_175 = tpu.vector_load %arg5[%swap3A, %swap3A_174] {strides = array<i32>} : memref<1000x128xf32, #tpu.memory_space<vmem>>, vector<16xf32>,
      tpu.vector_store %arg5[%swap3A, %swap3A_174], %broadcast_in_dim3A_4 {strides = array<i32>} : memref<1000x128xf32, #tpu.memory_space<vmem>>, vector<16xf32>,
      %swap3A_176 = arith.index_cast %scan3A_173 : i32 to index
      %swap3A_177 = arith.constant 16 : index
      %swap3A_178 = tpu.vector_load %arg5[%swap3A_176, %swap3A_177] {strides = array<i32>} : memref<1000x128xf32, #tpu.memory_space<vmem>>, vector<16xf32>,
      tpu.vector_store %arg5[%swap3A_176, %swap3A_177], %broadcast_in_dim3A_4 {strides = array<i32>} : memref<1000x128xf32, #tpu.memory_space<vmem>>, vector<16xf32>,
      %swap3A_179 = arith.index_cast %scan3A_173 : i32 to index
      %swap3A_180 = arith.constant 32 : index
      %swap3A_181 = tpu.vector_load %arg5[%swap3A_179, %swap3A_180] {strides = array<i32>} : memref<1000x128xf32, #tpu.memory_space<vmem>>, vector<16xf32>,
      tpu.vector_store %arg5[%swap3A_179, %swap3A_180], %broadcast_in_dim3A_4 {strides = array<i32>} : memref<1000x128xf32, #tpu.memory_space<vmem>>, vector<16xf32>,
      %swap3A_182 = arith.index_cast %scan3A_173 : i32 to index
      %swap3A_183 = arith.constant 48 : index
      %swap3A_184 = tpu.vector_load %arg5[%swap3A_182, %swap3A_183] {strides = array<i32>} : memref<1000x128xf32, #tpu.memory_space<vmem>>, vector<16xf32>,
      tpu.vector_store %arg5[%swap3A_182, %swap3A_183], %broadcast_in_dim3A_4 {strides = array<i32>} : memref<1000x128xf32, #tpu.memory_space<vmem>>, vector<16xf32>,
      %swap3A_185 = arith.index_cast %scan3A_173 : i32 to index
      %swap3A_186 = arith.constant 64 : index
      %swap3A_187 = tpu.vector_load %arg5[%swap3A_185, %swap3A_186] {strides = array<i32>} : memref<1000x128xf32, #tpu.memory_space<vmem>>, vector<16xf32>,
      tpu.vector_store %arg5[%swap3A_185, %swap3A_186], %broadcast_in_dim3A_4 {strides = array<i32>} : memref<1000x128xf32, #tpu.memory_space<vmem>>, vector<16xf32>,
      %swap3A_188 = arith.index_cast %scan3A_173 : i32 to index
      %swap3A_189 = arith.constant 80 : index
      %swap3A_190 = tpu.vector_load %arg5[%swap3A_188, %swap3A_189] {strides = array<i32>} : memref<1000x128xf32, #tpu.memory_space<vmem>>, vector<16xf32>,
      tpu.vector_store %arg5[%swap3A_188, %swap3A_189], %broadcast_in_dim3A_4 {strides = array<i32>} : memref<1000x128xf32, #tpu.memory_space<vmem>>, vector<16xf32>,
      %swap3A_191 = arith.index_cast %scan3A_173 : i32 to index
      %swap3A_192 = arith.constant 96 : index
      %swap3A_193 = tpu.vector_load %arg5[%swap3A_191, %swap3A_192] {strides = array<i32>} : memref<1000x128xf32, #tpu.memory_space<vmem>>, vector<16xf32>,
      tpu.vector_store %arg5[%swap3A_191, %swap3A_192], %broadcast_in_dim3A_4 {strides = array<i32>} : memref<1000x128xf32, #tpu.memory_space<vmem>>, vector<16xf32>,
      %swap3A_194 = arith.index_cast %scan3A_173 : i32 to index
      %swap3A_195 = arith.constant 112 : index
      %swap3A_196 = tpu.vector_load %arg5[%swap3A_194, %swap3A_195] {strides = array<i32>} : memref<1000x128xf32, #tpu.memory_space<vmem>>, vector<16xf32>,
      tpu.vector_store %arg5[%swap3A_194, %swap3A_195], %broadcast_in_dim3A_4 {strides = array<i32>} : memref<1000x128xf32, #tpu.memory_space<vmem>>, vector<16xf32>,
    }
    %scan3A_68 = arith.constant 248 : i32
    %broadcast_in_dim3A_69 = arith.constant 496 : i32
    %broadcast_in_dim3A_70 = vector.broadcast %broadcast_in_dim3A_69 : i32 to vector<16xi32>
    %broadcast_in_dim3A_71 = arith.constant 744 : i32
    %broadcast_in_dim3A_72 = vector.broadcast %broadcast_in_dim3A_71 : i32 to vector<16xi32>
    %scan3A_73 = arith.constant 0 : i32
    %scan3A_74 = arith.constant 0 : i32
    %scan3A_75 = arith.constant 8 : i32
    %scan3A_76 = arith.addi %scan3A_74, %scan3A_75 : i32
    %scan3A_77 = arith.constant 1 : i32
    scf.for %scan3A_173 = %scan3A_74 to %scan3A_76 step %scan3A_77  : i32 {
      %mul3A_174 = arith.constant 16 : i32
      %mul3A_175 = arith.muli %scan3A_173, %mul3A_174 : i32
      %add3A_176 = arith.constant 0 : i32
      %add3A_177 = arith.addi %add3A_176, %mul3A_175 : i32
      %get3A = arith.index_cast %add3A_177 : i32 to index
      %get3A_178 = tpu.vector_load %arg4[%get3A] {strides = array<i32>} : memref<512xi32, #tpu.memory_space<vmem>>, vector<16xi32>,
      %mul3A_179 = arith.constant 16 : i32
      %mul3A_180 = arith.muli %scan3A_173, %mul3A_179 : i32
      %add3A_181 = vector.broadcast %mul3A_180 : i32 to vector<16xi32>
      %add3A_182 = arith.addi %iota3A, %add3A_181 : vector<16xi32>
      %ge3A = arith.cmpi sge, %get3A_178, %broadcast_in_dim3A_70 : vector<16xi32>
      %lt3A = arith.cmpi slt, %get3A_178, %broadcast_in_dim3A_72 : vector<16xi32>
      %and3A = arith.andi %ge3A, %lt3A : vector<16xi1>
      tpu.vector_store_idx %arg5[%get3A_178, %add3A_182], %broadcast_in_dim3A_6 masked %and3A : memref<1000x128xf32, #tpu.memory_space<vmem>>[vector<16xi32>, vector<16xi32>], vector<16xf32>, vector<16xi1>
    }
    %scan3A_78 = arith.constant 8 : i32
    %add3A_79 = arith.constant 0 : i32
    %add3A_80 = arith.addi %mul3A_2, %add3A_79 : i32
    %dma_start3A_81 = arith.constant 496 : i32
    %dma_start3A_82 = arith.constant 0 : i32
    %dma_start3A_83 = tpu.memref_slice %arg5[%dma_start3A_81, %dma_start3A_82] : memref<1000x128xf32, #tpu.memory_space<vmem>> -> memref<248x128xf32, #tpu.memory_space<vmem>>
    %dma_start3A_84 = arith.constant 496 : i32
    %dma_start3A_85 = tpu.memref_slice %arg3[%dma_start3A_84, %add3A_80] : memref<1000x16384xf32, #tpu.memory_space<hbm>> -> memref<248x128xf32, #tpu.memory_space<hbm>>
    %dma_start3A_86 = arith.constant 496 : i32
    %dma_start3A_87 = tpu.memref_slice %arg3[%dma_start3A_86, %add3A_80] : memref<1000x16384xf32, #tpu.memory_space<hbm>> -> memref<248x128xf32, #tpu.memory_space<hbm>>
    %dma_start3A_88 = arith.constant 496 : i32
    %dma_start3A_89 = arith.constant 0 : i32
    %dma_start3A_90 = tpu.memref_slice %arg5[%dma_start3A_88, %dma_start3A_89] : memref<1000x128xf32, #tpu.memory_space<vmem>> -> memref<248x128xf32, #tpu.memory_space<vmem>>
    tpu.enqueue_dma source(%dma_start3A_90 : memref<248x128xf32, #tpu.memory_space<vmem>>) target(%dma_start3A_87 : memref<248x128xf32, #tpu.memory_space<hbm>>) target_semaphore(%arg8 : memref<!tpu.dma_semaphore, #tpu.memory_space<semaphore_mem>>)
    %scan3A_91 = arith.constant 0 : i32
    %scan3A_92 = arith.constant 744 : i32
    %scan3A_93 = arith.constant 256 : i32
    %scan3A_94 = arith.addi %scan3A_92, %scan3A_93 : i32
    %scan3A_95 = arith.constant 1 : i32
    scf.for %scan3A_173 = %scan3A_92 to %scan3A_94 step %scan3A_95  : i32 {
      %swap3A = arith.index_cast %scan3A_173 : i32 to index
      %swap3A_174 = arith.constant 0 : index
      %swap3A_175 = tpu.vector_load %arg5[%swap3A, %swap3A_174] {strides = array<i32>} : memref<1000x128xf32, #tpu.memory_space<vmem>>, vector<16xf32>,
      tpu.vector_store %arg5[%swap3A, %swap3A_174], %broadcast_in_dim3A_4 {strides = array<i32>} : memref<1000x128xf32, #tpu.memory_space<vmem>>, vector<16xf32>,
      %swap3A_176 = arith.index_cast %scan3A_173 : i32 to index
      %swap3A_177 = arith.constant 16 : index
      %swap3A_178 = tpu.vector_load %arg5[%swap3A_176, %swap3A_177] {strides = array<i32>} : memref<1000x128xf32, #tpu.memory_space<vmem>>, vector<16xf32>,
      tpu.vector_store %arg5[%swap3A_176, %swap3A_177], %broadcast_in_dim3A_4 {strides = array<i32>} : memref<1000x128xf32, #tpu.memory_space<vmem>>, vector<16xf32>,
      %swap3A_179 = arith.index_cast %scan3A_173 : i32 to index
      %swap3A_180 = arith.constant 32 : index
      %swap3A_181 = tpu.vector_load %arg5[%swap3A_179, %swap3A_180] {strides = array<i32>} : memref<1000x128xf32, #tpu.memory_space<vmem>>, vector<16xf32>,
      tpu.vector_store %arg5[%swap3A_179, %swap3A_180], %broadcast_in_dim3A_4 {strides = array<i32>} : memref<1000x128xf32, #tpu.memory_space<vmem>>, vector<16xf32>,
      %swap3A_182 = arith.index_cast %scan3A_173 : i32 to index
      %swap3A_183 = arith.constant 48 : index
      %swap3A_184 = tpu.vector_load %arg5[%swap3A_182, %swap3A_183] {strides = array<i32>} : memref<1000x128xf32, #tpu.memory_space<vmem>>, vector<16xf32>,
      tpu.vector_store %arg5[%swap3A_182, %swap3A_183], %broadcast_in_dim3A_4 {strides = array<i32>} : memref<1000x128xf32, #tpu.memory_space<vmem>>, vector<16xf32>,
      %swap3A_185 = arith.index_cast %scan3A_173 : i32 to index
      %swap3A_186 = arith.constant 64 : index
      %swap3A_187 = tpu.vector_load %arg5[%swap3A_185, %swap3A_186] {strides = array<i32>} : memref<1000x128xf32, #tpu.memory_space<vmem>>, vector<16xf32>,
      tpu.vector_store %arg5[%swap3A_185, %swap3A_186], %broadcast_in_dim3A_4 {strides = array<i32>} : memref<1000x128xf32, #tpu.memory_space<vmem>>, vector<16xf32>,
      %swap3A_188 = arith.index_cast %scan3A_173 : i32 to index
      %swap3A_189 = arith.constant 80 : index
      %swap3A_190 = tpu.vector_load %arg5[%swap3A_188, %swap3A_189] {strides = array<i32>} : memref<1000x128xf32, #tpu.memory_space<vmem>>, vector<16xf32>,
      tpu.vector_store %arg5[%swap3A_188, %swap3A_189], %broadcast_in_dim3A_4 {strides = array<i32>} : memref<1000x128xf32, #tpu.memory_space<vmem>>, vector<16xf32>,
      %swap3A_191 = arith.index_cast %scan3A_173 : i32 to index
      %swap3A_192 = arith.constant 96 : index
      %swap3A_193 = tpu.vector_load %arg5[%swap3A_191, %swap3A_192] {strides = array<i32>} : memref<1000x128xf32, #tpu.memory_space<vmem>>, vector<16xf32>,
      tpu.vector_store %arg5[%swap3A_191, %swap3A_192], %broadcast_in_dim3A_4 {strides = array<i32>} : memref<1000x128xf32, #tpu.memory_space<vmem>>, vector<16xf32>,
      %swap3A_194 = arith.index_cast %scan3A_173 : i32 to index
      %swap3A_195 = arith.constant 112 : index
      %swap3A_196 = tpu.vector_load %arg5[%swap3A_194, %swap3A_195] {strides = array<i32>} : memref<1000x128xf32, #tpu.memory_space<vmem>>, vector<16xf32>,
      tpu.vector_store %arg5[%swap3A_194, %swap3A_195], %broadcast_in_dim3A_4 {strides = array<i32>} : memref<1000x128xf32, #tpu.memory_space<vmem>>, vector<16xf32>,
    }
    %scan3A_96 = arith.constant 256 : i32
    %broadcast_in_dim3A_97 = arith.constant 744 : i32
    %broadcast_in_dim3A_98 = vector.broadcast %broadcast_in_dim3A_97 : i32 to vector<16xi32>
    %broadcast_in_dim3A_99 = arith.constant 1000 : i32
    %broadcast_in_dim3A_100 = vector.broadcast %broadcast_in_dim3A_99 : i32 to vector<16xi32>
    %scan3A_101 = arith.constant 0 : i32
    %scan3A_102 = arith.constant 0 : i32
    %scan3A_103 = arith.constant 8 : i32
    %scan3A_104 = arith.addi %scan3A_102, %scan3A_103 : i32
    %scan3A_105 = arith.constant 1 : i32
    scf.for %scan3A_173 = %scan3A_102 to %scan3A_104 step %scan3A_105  : i32 {
      %mul3A_174 = arith.constant 16 : i32
      %mul3A_175 = arith.muli %scan3A_173, %mul3A_174 : i32
      %add3A_176 = arith.constant 0 : i32
      %add3A_177 = arith.addi %add3A_176, %mul3A_175 : i32
      %get3A = arith.index_cast %add3A_177 : i32 to index
      %get3A_178 = tpu.vector_load %arg4[%get3A] {strides = array<i32>} : memref<512xi32, #tpu.memory_space<vmem>>, vector<16xi32>,
      %mul3A_179 = arith.constant 16 : i32
      %mul3A_180 = arith.muli %scan3A_173, %mul3A_179 : i32
      %add3A_181 = vector.broadcast %mul3A_180 : i32 to vector<16xi32>
      %add3A_182 = arith.addi %iota3A, %add3A_181 : vector<16xi32>
      %ge3A = arith.cmpi sge, %get3A_178, %broadcast_in_dim3A_98 : vector<16xi32>
      %lt3A = arith.cmpi slt, %get3A_178, %broadcast_in_dim3A_100 : vector<16xi32>
      %and3A = arith.andi %ge3A, %lt3A : vector<16xi1>
      tpu.vector_store_idx %arg5[%get3A_178, %add3A_182], %broadcast_in_dim3A_6 masked %and3A : memref<1000x128xf32, #tpu.memory_space<vmem>>[vector<16xi32>, vector<16xi32>], vector<16xf32>, vector<16xi1>
    }
    %scan3A_106 = arith.constant 8 : i32
    %add3A_107 = arith.constant 0 : i32
    %add3A_108 = arith.addi %mul3A_2, %add3A_107 : i32
    %dma_start3A_109 = arith.constant 744 : i32
    %dma_start3A_110 = arith.constant 0 : i32
    %dma_start3A_111 = tpu.memref_slice %arg5[%dma_start3A_109, %dma_start3A_110] : memref<1000x128xf32, #tpu.memory_space<vmem>> -> memref<256x128xf32, #tpu.memory_space<vmem>>
    %dma_start3A_112 = arith.constant 744 : i32
    %dma_start3A_113 = tpu.memref_slice %arg3[%dma_start3A_112, %add3A_108] : memref<1000x16384xf32, #tpu.memory_space<hbm>> -> memref<256x128xf32, #tpu.memory_space<hbm>>
    %dma_start3A_114 = arith.constant 744 : i32
    %dma_start3A_115 = tpu.memref_slice %arg3[%dma_start3A_114, %add3A_108] : memref<1000x16384xf32, #tpu.memory_space<hbm>> -> memref<256x128xf32, #tpu.memory_space<hbm>>
    %dma_start3A_116 = arith.constant 744 : i32
    %dma_start3A_117 = arith.constant 0 : i32
    %dma_start3A_118 = tpu.memref_slice %arg5[%dma_start3A_116, %dma_start3A_117] : memref<1000x128xf32, #tpu.memory_space<vmem>> -> memref<256x128xf32, #tpu.memory_space<vmem>>
    tpu.enqueue_dma source(%dma_start3A_118 : memref<256x128xf32, #tpu.memory_space<vmem>>) target(%dma_start3A_115 : memref<256x128xf32, #tpu.memory_space<hbm>>) target_semaphore(%arg9 : memref<!tpu.dma_semaphore, #tpu.memory_space<semaphore_mem>>)
    %scan3A_119 = arith.constant 0 : i32
    %scan3A_120 = arith.constant 1 : i32
    %scan3A_121 = arith.constant 3 : i32
    %scan3A_122 = arith.addi %scan3A_120, %scan3A_121 : i32
    %scan3A_123 = arith.constant 1 : i32
    scf.for %scan3A_173 = %scan3A_120 to %scan3A_122 step %scan3A_123  : i32 {
      %sub3A = arith.constant 1 : i32
      %sub3A_174 = arith.subi %scan3A_173, %sub3A : i32
      %mul3A_175 = arith.constant 128 : i32
      %mul3A_176 = arith.muli %sub3A_174, %mul3A_175 : i32
      %add3A_177 = arith.addi %mul3A_2, %mul3A_176 : i32
      %dma_wait3A_178 = arith.constant 0 : i32
      %dma_wait3A_179 = arith.constant 0 : i32
      %dma_wait3A_180 = tpu.memref_slice %arg5[%dma_wait3A_178, %dma_wait3A_179] : memref<1000x128xf32, #tpu.memory_space<vmem>> -> memref<248x128xf32, #tpu.memory_space<vmem>>
      %dma_wait3A_181 = arith.constant 0 : i32
      %dma_wait3A_182 = tpu.memref_slice %arg3[%dma_wait3A_181, %add3A_177] : memref<1000x16384xf32, #tpu.memory_space<hbm>> -> memref<248x128xf32, #tpu.memory_space<hbm>>
      %dma_wait3A_183 = arith.constant 0 : i32
      %dma_wait3A_184 = tpu.memref_slice %arg3[%dma_wait3A_183, %add3A_177] : memref<1000x16384xf32, #tpu.memory_space<hbm>> -> memref<248x128xf32, #tpu.memory_space<hbm>>
      %dma_wait3A_185 = arith.constant 0 : i32
      %dma_wait3A_186 = arith.constant 0 : i32
      %dma_wait3A_187 = tpu.memref_slice %arg5[%dma_wait3A_185, %dma_wait3A_186] : memref<1000x128xf32, #tpu.memory_space<vmem>> -> memref<248x128xf32, #tpu.memory_space<vmem>>
      tpu.wait_dma2 semaphore(%arg6 : memref<!tpu.dma_semaphore, #tpu.memory_space<semaphore_mem>>) src(%dma_wait3A_187 : memref<248x128xf32, #tpu.memory_space<vmem>>) dst(%dma_wait3A_184 : memref<248x128xf32, #tpu.memory_space<hbm>>)
      %sub3A_188 = arith.constant 1 : i32
      %sub3A_189 = arith.subi %scan3A_173, %sub3A_188 : i32
      %broadcast_in_dim3A_190 = arith.constant 0 : i32
      %broadcast_in_dim3A_191 = vector.broadcast %broadcast_in_dim3A_190 : i32 to vector<16xi32>
      %broadcast_in_dim3A_192 = arith.constant 248 : i32
      %broadcast_in_dim3A_193 = vector.broadcast %broadcast_in_dim3A_192 : i32 to vector<16xi32>
      %scan3A_194 = arith.constant 0 : i32
      %scan3A_195 = arith.constant 0 : i32
      %scan3A_196 = arith.constant 8 : i32
      %scan3A_197 = arith.addi %scan3A_195, %scan3A_196 : i32
      %scan3A_198 = arith.constant 1 : i32
      scf.for %scan3A_373 = %scan3A_195 to %scan3A_197 step %scan3A_198  : i32 {
        %mul3A_374 = arith.constant 128 : i32
        %mul3A_375 = arith.muli %sub3A_189, %mul3A_374 : i32
        %mul3A_376 = arith.constant 16 : i32
        %mul3A_377 = arith.muli %scan3A_373, %mul3A_376 : i32
        %add3A_378 = arith.addi %mul3A_375, %mul3A_377 : i32
        %get3A = arith.index_cast %add3A_378 : i32 to index
        %get3A_379 = tpu.vector_load %arg4[%get3A] {strides = array<i32>} : memref<512xi32, #tpu.memory_space<vmem>>, vector<16xi32>,
        %mul3A_380 = arith.constant 16 : i32
        %mul3A_381 = arith.muli %scan3A_373, %mul3A_380 : i32
        %add3A_382 = vector.broadcast %mul3A_381 : i32 to vector<16xi32>
        %add3A_383 = arith.addi %iota3A, %add3A_382 : vector<16xi32>
        %lt3A = arith.cmpi slt, %get3A_379, %broadcast_in_dim3A_193 : vector<16xi32>
        tpu.vector_store_idx %arg5[%get3A_379, %add3A_383], %broadcast_in_dim3A_4 masked %lt3A : memref<1000x128xf32, #tpu.memory_space<vmem>>[vector<16xi32>, vector<16xi32>], vector<16xf32>, vector<16xi1>
      }
      %scan3A_199 = arith.constant 8 : i32
      %broadcast_in_dim3A_200 = arith.constant 0 : i32
      %broadcast_in_dim3A_201 = vector.broadcast %broadcast_in_dim3A_200 : i32 to vector<16xi32>
      %broadcast_in_dim3A_202 = arith.constant 248 : i32
      %broadcast_in_dim3A_203 = vector.broadcast %broadcast_in_dim3A_202 : i32 to vector<16xi32>
      %scan3A_204 = arith.constant 0 : i32
      %scan3A_205 = arith.constant 0 : i32
      %scan3A_206 = arith.constant 8 : i32
      %scan3A_207 = arith.addi %scan3A_205, %scan3A_206 : i32
      %scan3A_208 = arith.constant 1 : i32
      scf.for %scan3A_373 = %scan3A_205 to %scan3A_207 step %scan3A_208  : i32 {
        %mul3A_374 = arith.constant 128 : i32
        %mul3A_375 = arith.muli %scan3A_173, %mul3A_374 : i32
        %mul3A_376 = arith.constant 16 : i32
        %mul3A_377 = arith.muli %scan3A_373, %mul3A_376 : i32
        %add3A_378 = arith.addi %mul3A_375, %mul3A_377 : i32
        %get3A = arith.index_cast %add3A_378 : i32 to index
        %get3A_379 = tpu.vector_load %arg4[%get3A] {strides = array<i32>} : memref<512xi32, #tpu.memory_space<vmem>>, vector<16xi32>,
        %mul3A_380 = arith.constant 16 : i32
        %mul3A_381 = arith.muli %scan3A_373, %mul3A_380 : i32
        %add3A_382 = vector.broadcast %mul3A_381 : i32 to vector<16xi32>
        %add3A_383 = arith.addi %iota3A, %add3A_382 : vector<16xi32>
        %lt3A = arith.cmpi slt, %get3A_379, %broadcast_in_dim3A_203 : vector<16xi32>
        tpu.vector_store_idx %arg5[%get3A_379, %add3A_383], %broadcast_in_dim3A_6 masked %lt3A : memref<1000x128xf32, #tpu.memory_space<vmem>>[vector<16xi32>, vector<16xi32>], vector<16xf32>, vector<16xi1>
      }
      %scan3A_209 = arith.constant 8 : i32
      %mul3A_210 = arith.constant 128 : i32
      %mul3A_211 = arith.muli %scan3A_173, %mul3A_210 : i32
      %add3A_212 = arith.addi %mul3A_2, %mul3A_211 : i32
      %dma_start3A_213 = arith.constant 0 : i32
      %dma_start3A_214 = arith.constant 0 : i32
      %dma_start3A_215 = tpu.memref_slice %arg5[%dma_start3A_213, %dma_start3A_214] : memref<1000x128xf32, #tpu.memory_space<vmem>> -> memref<248x128xf32, #tpu.memory_space<vmem>>
      %dma_start3A_216 = arith.constant 0 : i32
      %dma_start3A_217 = tpu.memref_slice %arg3[%dma_start3A_216, %add3A_212] : memref<1000x16384xf32, #tpu.memory_space<hbm>> -> memref<248x128xf32, #tpu.memory_space<hbm>>
      %dma_start3A_218 = arith.constant 0 : i32
      %dma_start3A_219 = tpu.memref_slice %arg3[%dma_start3A_218, %add3A_212] : memref<1000x16384xf32, #tpu.memory_space<hbm>> -> memref<248x128xf32, #tpu.memory_space<hbm>>
      %dma_start3A_220 = arith.constant 0 : i32
      %dma_start3A_221 = arith.constant 0 : i32
      %dma_start3A_222 = tpu.memref_slice %arg5[%dma_start3A_220, %dma_start3A_221] : memref<1000x128xf32, #tpu.memory_space<vmem>> -> memref<248x128xf32, #tpu.memory_space<vmem>>
      tpu.enqueue_dma source(%dma_start3A_222 : memref<248x128xf32, #tpu.memory_space<vmem>>) target(%dma_start3A_219 : memref<248x128xf32, #tpu.memory_space<hbm>>) target_semaphore(%arg6 : memref<!tpu.dma_semaphore, #tpu.memory_space<semaphore_mem>>)
      %sub3A_223 = arith.constant 1 : i32
      %sub3A_224 = arith.subi %scan3A_173, %sub3A_223 : i32
      %mul3A_225 = arith.constant 128 : i32
      %mul3A_226 = arith.muli %sub3A_224, %mul3A_225 : i32
      %add3A_227 = arith.addi %mul3A_2, %mul3A_226 : i32
      %dma_wait3A_228 = arith.constant 248 : i32
      %dma_wait3A_229 = arith.constant 0 : i32
      %dma_wait3A_230 = tpu.memref_slice %arg5[%dma_wait3A_228, %dma_wait3A_229] : memref<1000x128xf32, #tpu.memory_space<vmem>> -> memref<248x128xf32, #tpu.memory_space<vmem>>
      %dma_wait3A_231 = arith.constant 248 : i32
      %dma_wait3A_232 = tpu.memref_slice %arg3[%dma_wait3A_231, %add3A_227] : memref<1000x16384xf32, #tpu.memory_space<hbm>> -> memref<248x128xf32, #tpu.memory_space<hbm>>
      %dma_wait3A_233 = arith.constant 248 : i32
      %dma_wait3A_234 = tpu.memref_slice %arg3[%dma_wait3A_233, %add3A_227] : memref<1000x16384xf32, #tpu.memory_space<hbm>> -> memref<248x128xf32, #tpu.memory_space<hbm>>
      %dma_wait3A_235 = arith.constant 248 : i32
      %dma_wait3A_236 = arith.constant 0 : i32
      %dma_wait3A_237 = tpu.memref_slice %arg5[%dma_wait3A_235, %dma_wait3A_236] : memref<1000x128xf32, #tpu.memory_space<vmem>> -> memref<248x128xf32, #tpu.memory_space<vmem>>
      tpu.wait_dma2 semaphore(%arg7 : memref<!tpu.dma_semaphore, #tpu.memory_space<semaphore_mem>>) src(%dma_wait3A_237 : memref<248x128xf32, #tpu.memory_space<vmem>>) dst(%dma_wait3A_234 : memref<248x128xf32, #tpu.memory_space<hbm>>)
      %sub3A_238 = arith.constant 1 : i32
      %sub3A_239 = arith.subi %scan3A_173, %sub3A_238 : i32
      %broadcast_in_dim3A_240 = arith.constant 248 : i32
      %broadcast_in_dim3A_241 = vector.broadcast %broadcast_in_dim3A_240 : i32 to vector<16xi32>
      %broadcast_in_dim3A_242 = arith.constant 496 : i32
      %broadcast_in_dim3A_243 = vector.broadcast %broadcast_in_dim3A_242 : i32 to vector<16xi32>
      %scan3A_244 = arith.constant 0 : i32
      %scan3A_245 = arith.constant 0 : i32
      %scan3A_246 = arith.constant 8 : i32
      %scan3A_247 = arith.addi %scan3A_245, %scan3A_246 : i32
      %scan3A_248 = arith.constant 1 : i32
      scf.for %scan3A_373 = %scan3A_245 to %scan3A_247 step %scan3A_248  : i32 {
        %mul3A_374 = arith.constant 128 : i32
        %mul3A_375 = arith.muli %sub3A_239, %mul3A_374 : i32
        %mul3A_376 = arith.constant 16 : i32
        %mul3A_377 = arith.muli %scan3A_373, %mul3A_376 : i32
        %add3A_378 = arith.addi %mul3A_375, %mul3A_377 : i32
        %get3A = arith.index_cast %add3A_378 : i32 to index
        %get3A_379 = tpu.vector_load %arg4[%get3A] {strides = array<i32>} : memref<512xi32, #tpu.memory_space<vmem>>, vector<16xi32>,
        %mul3A_380 = arith.constant 16 : i32
        %mul3A_381 = arith.muli %scan3A_373, %mul3A_380 : i32
        %add3A_382 = vector.broadcast %mul3A_381 : i32 to vector<16xi32>
        %add3A_383 = arith.addi %iota3A, %add3A_382 : vector<16xi32>
        %ge3A = arith.cmpi sge, %get3A_379, %broadcast_in_dim3A_241 : vector<16xi32>
        %lt3A = arith.cmpi slt, %get3A_379, %broadcast_in_dim3A_243 : vector<16xi32>
        %and3A = arith.andi %ge3A, %lt3A : vector<16xi1>
        tpu.vector_store_idx %arg5[%get3A_379, %add3A_383], %broadcast_in_dim3A_4 masked %and3A : memref<1000x128xf32, #tpu.memory_space<vmem>>[vector<16xi32>, vector<16xi32>], vector<16xf32>, vector<16xi1>
      }
      %scan3A_249 = arith.constant 8 : i32
      %broadcast_in_dim3A_250 = arith.constant 248 : i32
      %broadcast_in_dim3A_251 = vector.broadcast %broadcast_in_dim3A_250 : i32 to vector<16xi32>
      %broadcast_in_dim3A_252 = arith.constant 496 : i32
      %broadcast_in_dim3A_253 = vector.broadcast %broadcast_in_dim3A_252 : i32 to vector<16xi32>
      %scan3A_254 = arith.constant 0 : i32
      %scan3A_255 = arith.constant 0 : i32
      %scan3A_256 = arith.constant 8 : i32
      %scan3A_257 = arith.addi %scan3A_255, %scan3A_256 : i32
      %scan3A_258 = arith.constant 1 : i32
      scf.for %scan3A_373 = %scan3A_255 to %scan3A_257 step %scan3A_258  : i32 {
        %mul3A_374 = arith.constant 128 : i32
        %mul3A_375 = arith.muli %scan3A_173, %mul3A_374 : i32
        %mul3A_376 = arith.constant 16 : i32
        %mul3A_377 = arith.muli %scan3A_373, %mul3A_376 : i32
        %add3A_378 = arith.addi %mul3A_375, %mul3A_377 : i32
        %get3A = arith.index_cast %add3A_378 : i32 to index
        %get3A_379 = tpu.vector_load %arg4[%get3A] {strides = array<i32>} : memref<512xi32, #tpu.memory_space<vmem>>, vector<16xi32>,
        %mul3A_380 = arith.constant 16 : i32
        %mul3A_381 = arith.muli %scan3A_373, %mul3A_380 : i32
        %add3A_382 = vector.broadcast %mul3A_381 : i32 to vector<16xi32>
        %add3A_383 = arith.addi %iota3A, %add3A_382 : vector<16xi32>
        %ge3A = arith.cmpi sge, %get3A_379, %broadcast_in_dim3A_251 : vector<16xi32>
        %lt3A = arith.cmpi slt, %get3A_379, %broadcast_in_dim3A_253 : vector<16xi32>
        %and3A = arith.andi %ge3A, %lt3A : vector<16xi1>
        tpu.vector_store_idx %arg5[%get3A_379, %add3A_383], %broadcast_in_dim3A_6 masked %and3A : memref<1000x128xf32, #tpu.memory_space<vmem>>[vector<16xi32>, vector<16xi32>], vector<16xf32>, vector<16xi1>
      }
      %scan3A_259 = arith.constant 8 : i32
      %mul3A_260 = arith.constant 128 : i32
      %mul3A_261 = arith.muli %scan3A_173, %mul3A_260 : i32
      %add3A_262 = arith.addi %mul3A_2, %mul3A_261 : i32
      %dma_start3A_263 = arith.constant 248 : i32
      %dma_start3A_264 = arith.constant 0 : i32
      %dma_start3A_265 = tpu.memref_slice %arg5[%dma_start3A_263, %dma_start3A_264] : memref<1000x128xf32, #tpu.memory_space<vmem>> -> memref<248x128xf32, #tpu.memory_space<vmem>>
      %dma_start3A_266 = arith.constant 248 : i32
      %dma_start3A_267 = tpu.memref_slice %arg3[%dma_start3A_266, %add3A_262] : memref<1000x16384xf32, #tpu.memory_space<hbm>> -> memref<248x128xf32, #tpu.memory_space<hbm>>
      %dma_start3A_268 = arith.constant 248 : i32
      %dma_start3A_269 = tpu.memref_slice %arg3[%dma_start3A_268, %add3A_262] : memref<1000x16384xf32, #tpu.memory_space<hbm>> -> memref<248x128xf32, #tpu.memory_space<hbm>>
      %dma_start3A_270 = arith.constant 248 : i32
      %dma_start3A_271 = arith.constant 0 : i32
      %dma_start3A_272 = tpu.memref_slice %arg5[%dma_start3A_270, %dma_start3A_271] : memref<1000x128xf32, #tpu.memory_space<vmem>> -> memref<248x128xf32, #tpu.memory_space<vmem>>
      tpu.enqueue_dma source(%dma_start3A_272 : memref<248x128xf32, #tpu.memory_space<vmem>>) target(%dma_start3A_269 : memref<248x128xf32, #tpu.memory_space<hbm>>) target_semaphore(%arg7 : memref<!tpu.dma_semaphore, #tpu.memory_space<semaphore_mem>>)
      %sub3A_273 = arith.constant 1 : i32
      %sub3A_274 = arith.subi %scan3A_173, %sub3A_273 : i32
      %mul3A_275 = arith.constant 128 : i32
      %mul3A_276 = arith.muli %sub3A_274, %mul3A_275 : i32
      %add3A_277 = arith.addi %mul3A_2, %mul3A_276 : i32
      %dma_wait3A_278 = arith.constant 496 : i32
      %dma_wait3A_279 = arith.constant 0 : i32
      %dma_wait3A_280 = tpu.memref_slice %arg5[%dma_wait3A_278, %dma_wait3A_279] : memref<1000x128xf32, #tpu.memory_space<vmem>> -> memref<248x128xf32, #tpu.memory_space<vmem>>
      %dma_wait3A_281 = arith.constant 496 : i32
      %dma_wait3A_282 = tpu.memref_slice %arg3[%dma_wait3A_281, %add3A_277] : memref<1000x16384xf32, #tpu.memory_space<hbm>> -> memref<248x128xf32, #tpu.memory_space<hbm>>
      %dma_wait3A_283 = arith.constant 496 : i32
      %dma_wait3A_284 = tpu.memref_slice %arg3[%dma_wait3A_283, %add3A_277] : memref<1000x16384xf32, #tpu.memory_space<hbm>> -> memref<248x128xf32, #tpu.memory_space<hbm>>
      %dma_wait3A_285 = arith.constant 496 : i32
      %dma_wait3A_286 = arith.constant 0 : i32
      %dma_wait3A_287 = tpu.memref_slice %arg5[%dma_wait3A_285, %dma_wait3A_286] : memref<1000x128xf32, #tpu.memory_space<vmem>> -> memref<248x128xf32, #tpu.memory_space<vmem>>
      tpu.wait_dma2 semaphore(%arg8 : memref<!tpu.dma_semaphore, #tpu.memory_space<semaphore_mem>>) src(%dma_wait3A_287 : memref<248x128xf32, #tpu.memory_space<vmem>>) dst(%dma_wait3A_284 : memref<248x128xf32, #tpu.memory_space<hbm>>)
      %sub3A_288 = arith.constant 1 : i32
      %sub3A_289 = arith.subi %scan3A_173, %sub3A_288 : i32
      %broadcast_in_dim3A_290 = arith.constant 496 : i32
      %broadcast_in_dim3A_291 = vector.broadcast %broadcast_in_dim3A_290 : i32 to vector<16xi32>
      %broadcast_in_dim3A_292 = arith.constant 744 : i32
      %broadcast_in_dim3A_293 = vector.broadcast %broadcast_in_dim3A_292 : i32 to vector<16xi32>
      %scan3A_294 = arith.constant 0 : i32
      %scan3A_295 = arith.constant 0 : i32
      %scan3A_296 = arith.constant 8 : i32
      %scan3A_297 = arith.addi %scan3A_295, %scan3A_296 : i32
      %scan3A_298 = arith.constant 1 : i32
      scf.for %scan3A_373 = %scan3A_295 to %scan3A_297 step %scan3A_298  : i32 {
        %mul3A_374 = arith.constant 128 : i32
        %mul3A_375 = arith.muli %sub3A_289, %mul3A_374 : i32
        %mul3A_376 = arith.constant 16 : i32
        %mul3A_377 = arith.muli %scan3A_373, %mul3A_376 : i32
        %add3A_378 = arith.addi %mul3A_375, %mul3A_377 : i32
        %get3A = arith.index_cast %add3A_378 : i32 to index
        %get3A_379 = tpu.vector_load %arg4[%get3A] {strides = array<i32>} : memref<512xi32, #tpu.memory_space<vmem>>, vector<16xi32>,
        %mul3A_380 = arith.constant 16 : i32
        %mul3A_381 = arith.muli %scan3A_373, %mul3A_380 : i32
        %add3A_382 = vector.broadcast %mul3A_381 : i32 to vector<16xi32>
        %add3A_383 = arith.addi %iota3A, %add3A_382 : vector<16xi32>
        %ge3A = arith.cmpi sge, %get3A_379, %broadcast_in_dim3A_291 : vector<16xi32>
        %lt3A = arith.cmpi slt, %get3A_379, %broadcast_in_dim3A_293 : vector<16xi32>
        %and3A = arith.andi %ge3A, %lt3A : vector<16xi1>
        tpu.vector_store_idx %arg5[%get3A_379, %add3A_383], %broadcast_in_dim3A_4 masked %and3A : memref<1000x128xf32, #tpu.memory_space<vmem>>[vector<16xi32>, vector<16xi32>], vector<16xf32>, vector<16xi1>
      }
      %scan3A_299 = arith.constant 8 : i32
      %broadcast_in_dim3A_300 = arith.constant 496 : i32
      %broadcast_in_dim3A_301 = vector.broadcast %broadcast_in_dim3A_300 : i32 to vector<16xi32>
      %broadcast_in_dim3A_302 = arith.constant 744 : i32
      %broadcast_in_dim3A_303 = vector.broadcast %broadcast_in_dim3A_302 : i32 to vector<16xi32>
      %scan3A_304 = arith.constant 0 : i32
      %scan3A_305 = arith.constant 0 : i32
      %scan3A_306 = arith.constant 8 : i32
      %scan3A_307 = arith.addi %scan3A_305, %scan3A_306 : i32
      %scan3A_308 = arith.constant 1 : i32
      scf.for %scan3A_373 = %scan3A_305 to %scan3A_307 step %scan3A_308  : i32 {
        %mul3A_374 = arith.constant 128 : i32
        %mul3A_375 = arith.muli %scan3A_173, %mul3A_374 : i32
        %mul3A_376 = arith.constant 16 : i32
        %mul3A_377 = arith.muli %scan3A_373, %mul3A_376 : i32
        %add3A_378 = arith.addi %mul3A_375, %mul3A_377 : i32
        %get3A = arith.index_cast %add3A_378 : i32 to index
        %get3A_379 = tpu.vector_load %arg4[%get3A] {strides = array<i32>} : memref<512xi32, #tpu.memory_space<vmem>>, vector<16xi32>,
        %mul3A_380 = arith.constant 16 : i32
        %mul3A_381 = arith.muli %scan3A_373, %mul3A_380 : i32
        %add3A_382 = vector.broadcast %mul3A_381 : i32 to vector<16xi32>
        %add3A_383 = arith.addi %iota3A, %add3A_382 : vector<16xi32>
        %ge3A = arith.cmpi sge, %get3A_379, %broadcast_in_dim3A_301 : vector<16xi32>
        %lt3A = arith.cmpi slt, %get3A_379, %broadcast_in_dim3A_303 : vector<16xi32>
        %and3A = arith.andi %ge3A, %lt3A : vector<16xi1>
        tpu.vector_store_idx %arg5[%get3A_379, %add3A_383], %broadcast_in_dim3A_6 masked %and3A : memref<1000x128xf32, #tpu.memory_space<vmem>>[vector<16xi32>, vector<16xi32>], vector<16xf32>, vector<16xi1>
      }
      %scan3A_309 = arith.constant 8 : i32
      %mul3A_310 = arith.constant 128 : i32
      %mul3A_311 = arith.muli %scan3A_173, %mul3A_310 : i32
      %add3A_312 = arith.addi %mul3A_2, %mul3A_311 : i32
      %dma_start3A_313 = arith.constant 496 : i32
      %dma_start3A_314 = arith.constant 0 : i32
      %dma_start3A_315 = tpu.memref_slice %arg5[%dma_start3A_313, %dma_start3A_314] : memref<1000x128xf32, #tpu.memory_space<vmem>> -> memref<248x128xf32, #tpu.memory_space<vmem>>
      %dma_start3A_316 = arith.constant 496 : i32
      %dma_start3A_317 = tpu.memref_slice %arg3[%dma_start3A_316, %add3A_312] : memref<1000x16384xf32, #tpu.memory_space<hbm>> -> memref<248x128xf32, #tpu.memory_space<hbm>>
      %dma_start3A_318 = arith.constant 496 : i32
      %dma_start3A_319 = tpu.memref_slice %arg3[%dma_start3A_318, %add3A_312] : memref<1000x16384xf32, #tpu.memory_space<hbm>> -> memref<248x128xf32, #tpu.memory_space<hbm>>
      %dma_start3A_320 = arith.constant 496 : i32
      %dma_start3A_321 = arith.constant 0 : i32
      %dma_start3A_322 = tpu.memref_slice %arg5[%dma_start3A_320, %dma_start3A_321] : memref<1000x128xf32, #tpu.memory_space<vmem>> -> memref<248x128xf32, #tpu.memory_space<vmem>>
      tpu.enqueue_dma source(%dma_start3A_322 : memref<248x128xf32, #tpu.memory_space<vmem>>) target(%dma_start3A_319 : memref<248x128xf32, #tpu.memory_space<hbm>>) target_semaphore(%arg8 : memref<!tpu.dma_semaphore, #tpu.memory_space<semaphore_mem>>)
      %sub3A_323 = arith.constant 1 : i32
      %sub3A_324 = arith.subi %scan3A_173, %sub3A_323 : i32
      %mul3A_325 = arith.constant 128 : i32
      %mul3A_326 = arith.muli %sub3A_324, %mul3A_325 : i32
      %add3A_327 = arith.addi %mul3A_2, %mul3A_326 : i32
      %dma_wait3A_328 = arith.constant 744 : i32
      %dma_wait3A_329 = arith.constant 0 : i32
      %dma_wait3A_330 = tpu.memref_slice %arg5[%dma_wait3A_328, %dma_wait3A_329] : memref<1000x128xf32, #tpu.memory_space<vmem>> -> memref<256x128xf32, #tpu.memory_space<vmem>>
      %dma_wait3A_331 = arith.constant 744 : i32
      %dma_wait3A_332 = tpu.memref_slice %arg3[%dma_wait3A_331, %add3A_327] : memref<1000x16384xf32, #tpu.memory_space<hbm>> -> memref<256x128xf32, #tpu.memory_space<hbm>>
      %dma_wait3A_333 = arith.constant 744 : i32
      %dma_wait3A_334 = tpu.memref_slice %arg3[%dma_wait3A_333, %add3A_327] : memref<1000x16384xf32, #tpu.memory_space<hbm>> -> memref<256x128xf32, #tpu.memory_space<hbm>>
      %dma_wait3A_335 = arith.constant 744 : i32
      %dma_wait3A_336 = arith.constant 0 : i32
      %dma_wait3A_337 = tpu.memref_slice %arg5[%dma_wait3A_335, %dma_wait3A_336] : memref<1000x128xf32, #tpu.memory_space<vmem>> -> memref<256x128xf32, #tpu.memory_space<vmem>>
      tpu.wait_dma2 semaphore(%arg9 : memref<!tpu.dma_semaphore, #tpu.memory_space<semaphore_mem>>) src(%dma_wait3A_337 : memref<256x128xf32, #tpu.memory_space<vmem>>) dst(%dma_wait3A_334 : memref<256x128xf32, #tpu.memory_space<hbm>>)
      %sub3A_338 = arith.constant 1 : i32
      %sub3A_339 = arith.subi %scan3A_173, %sub3A_338 : i32
      %broadcast_in_dim3A_340 = arith.constant 744 : i32
      %broadcast_in_dim3A_341 = vector.broadcast %broadcast_in_dim3A_340 : i32 to vector<16xi32>
      %broadcast_in_dim3A_342 = arith.constant 1000 : i32
      %broadcast_in_dim3A_343 = vector.broadcast %broadcast_in_dim3A_342 : i32 to vector<16xi32>
      %scan3A_344 = arith.constant 0 : i32
      %scan3A_345 = arith.constant 0 : i32
      %scan3A_346 = arith.constant 8 : i32
      %scan3A_347 = arith.addi %scan3A_345, %scan3A_346 : i32
      %scan3A_348 = arith.constant 1 : i32
      scf.for %scan3A_373 = %scan3A_345 to %scan3A_347 step %scan3A_348  : i32 {
        %mul3A_374 = arith.constant 128 : i32
        %mul3A_375 = arith.muli %sub3A_339, %mul3A_374 : i32
        %mul3A_376 = arith.constant 16 : i32
        %mul3A_377 = arith.muli %scan3A_373, %mul3A_376 : i32
        %add3A_378 = arith.addi %mul3A_375, %mul3A_377 : i32
        %get3A = arith.index_cast %add3A_378 : i32 to index
        %get3A_379 = tpu.vector_load %arg4[%get3A] {strides = array<i32>} : memref<512xi32, #tpu.memory_space<vmem>>, vector<16xi32>,
        %mul3A_380 = arith.constant 16 : i32
        %mul3A_381 = arith.muli %scan3A_373, %mul3A_380 : i32
        %add3A_382 = vector.broadcast %mul3A_381 : i32 to vector<16xi32>
        %add3A_383 = arith.addi %iota3A, %add3A_382 : vector<16xi32>
        %ge3A = arith.cmpi sge, %get3A_379, %broadcast_in_dim3A_341 : vector<16xi32>
        %lt3A = arith.cmpi slt, %get3A_379, %broadcast_in_dim3A_343 : vector<16xi32>
        %and3A = arith.andi %ge3A, %lt3A : vector<16xi1>
        tpu.vector_store_idx %arg5[%get3A_379, %add3A_383], %broadcast_in_dim3A_4 masked %and3A : memref<1000x128xf32, #tpu.memory_space<vmem>>[vector<16xi32>, vector<16xi32>], vector<16xf32>, vector<16xi1>
      }
      %scan3A_349 = arith.constant 8 : i32
      %broadcast_in_dim3A_350 = arith.constant 744 : i32
      %broadcast_in_dim3A_351 = vector.broadcast %broadcast_in_dim3A_350 : i32 to vector<16xi32>
      %broadcast_in_dim3A_352 = arith.constant 1000 : i32
      %broadcast_in_dim3A_353 = vector.broadcast %broadcast_in_dim3A_352 : i32 to vector<16xi32>
      %scan3A_354 = arith.constant 0 : i32
      %scan3A_355 = arith.constant 0 : i32
      %scan3A_356 = arith.constant 8 : i32
      %scan3A_357 = arith.addi %scan3A_355, %scan3A_356 : i32
      %scan3A_358 = arith.constant 1 : i32
      scf.for %scan3A_373 = %scan3A_355 to %scan3A_357 step %scan3A_358  : i32 {
        %mul3A_374 = arith.constant 128 : i32
        %mul3A_375 = arith.muli %scan3A_173, %mul3A_374 : i32
        %mul3A_376 = arith.constant 16 : i32
        %mul3A_377 = arith.muli %scan3A_373, %mul3A_376 : i32
        %add3A_378 = arith.addi %mul3A_375, %mul3A_377 : i32
        %get3A = arith.index_cast %add3A_378 : i32 to index
        %get3A_379 = tpu.vector_load %arg4[%get3A] {strides = array<i32>} : memref<512xi32, #tpu.memory_space<vmem>>, vector<16xi32>,
        %mul3A_380 = arith.constant 16 : i32
        %mul3A_381 = arith.muli %scan3A_373, %mul3A_380 : i32
        %add3A_382 = vector.broadcast %mul3A_381 : i32 to vector<16xi32>
        %add3A_383 = arith.addi %iota3A, %add3A_382 : vector<16xi32>
        %ge3A = arith.cmpi sge, %get3A_379, %broadcast_in_dim3A_351 : vector<16xi32>
        %lt3A = arith.cmpi slt, %get3A_379, %broadcast_in_dim3A_353 : vector<16xi32>
        %and3A = arith.andi %ge3A, %lt3A : vector<16xi1>
        tpu.vector_store_idx %arg5[%get3A_379, %add3A_383], %broadcast_in_dim3A_6 masked %and3A : memref<1000x128xf32, #tpu.memory_space<vmem>>[vector<16xi32>, vector<16xi32>], vector<16xf32>, vector<16xi1>
      }
      %scan3A_359 = arith.constant 8 : i32
      %mul3A_360 = arith.constant 128 : i32
      %mul3A_361 = arith.muli %scan3A_173, %mul3A_360 : i32
      %add3A_362 = arith.addi %mul3A_2, %mul3A_361 : i32
      %dma_start3A_363 = arith.constant 744 : i32
      %dma_start3A_364 = arith.constant 0 : i32
      %dma_start3A_365 = tpu.memref_slice %arg5[%dma_start3A_363, %dma_start3A_364] : memref<1000x128xf32, #tpu.memory_space<vmem>> -> memref<256x128xf32, #tpu.memory_space<vmem>>
      %dma_start3A_366 = arith.constant 744 : i32
      %dma_start3A_367 = tpu.memref_slice %arg3[%dma_start3A_366, %add3A_362] : memref<1000x16384xf32, #tpu.memory_space<hbm>> -> memref<256x128xf32, #tpu.memory_space<hbm>>
      %dma_start3A_368 = arith.constant 744 : i32
      %dma_start3A_369 = tpu.memref_slice %arg3[%dma_start3A_368, %add3A_362] : memref<1000x16384xf32, #tpu.memory_space<hbm>> -> memref<256x128xf32, #tpu.memory_space<hbm>>
      %dma_start3A_370 = arith.constant 744 : i32
      %dma_start3A_371 = arith.constant 0 : i32
      %dma_start3A_372 = tpu.memref_slice %arg5[%dma_start3A_370, %dma_start3A_371] : memref<1000x128xf32, #tpu.memory_space<vmem>> -> memref<256x128xf32, #tpu.memory_space<vmem>>
      tpu.enqueue_dma source(%dma_start3A_372 : memref<256x128xf32, #tpu.memory_space<vmem>>) target(%dma_start3A_369 : memref<256x128xf32, #tpu.memory_space<hbm>>) target_semaphore(%arg9 : memref<!tpu.dma_semaphore, #tpu.memory_space<semaphore_mem>>)
    }
    %scan3A_124 = arith.constant 3 : i32
    %add3A_125 = arith.constant 384 : i32
    %add3A_126 = arith.addi %mul3A_2, %add3A_125 : i32
    %dma_wait3A_127 = arith.constant 0 : i32
    %dma_wait3A_128 = arith.constant 0 : i32
    %dma_wait3A_129 = tpu.memref_slice %arg5[%dma_wait3A_127, %dma_wait3A_128] : memref<1000x128xf32, #tpu.memory_space<vmem>> -> memref<248x128xf32, #tpu.memory_space<vmem>>
    %dma_wait3A_130 = arith.constant 0 : i32
    %dma_wait3A_131 = tpu.memref_slice %arg3[%dma_wait3A_130, %add3A_126] : memref<1000x16384xf32, #tpu.memory_space<hbm>> -> memref<248x128xf32, #tpu.memory_space<hbm>>
    %dma_wait3A_132 = arith.constant 0 : i32
    %dma_wait3A_133 = tpu.memref_slice %arg3[%dma_wait3A_132, %add3A_126] : memref<1000x16384xf32, #tpu.memory_space<hbm>> -> memref<248x128xf32, #tpu.memory_space<hbm>>
    %dma_wait3A_134 = arith.constant 0 : i32
    %dma_wait3A_135 = arith.constant 0 : i32
    %dma_wait3A_136 = tpu.memref_slice %arg5[%dma_wait3A_134, %dma_wait3A_135] : memref<1000x128xf32, #tpu.memory_space<vmem>> -> memref<248x128xf32, #tpu.memory_space<vmem>>
    tpu.wait_dma2 semaphore(%arg6 : memref<!tpu.dma_semaphore, #tpu.memory_space<semaphore_mem>>) src(%dma_wait3A_136 : memref<248x128xf32, #tpu.memory_space<vmem>>) dst(%dma_wait3A_133 : memref<248x128xf32, #tpu.memory_space<hbm>>)
    %add3A_137 = arith.constant 384 : i32
    %add3A_138 = arith.addi %mul3A_2, %add3A_137 : i32
    %dma_wait3A_139 = arith.constant 248 : i32
    %dma_wait3A_140 = arith.constant 0 : i32
    %dma_wait3A_141 = tpu.memref_slice %arg5[%dma_wait3A_139, %dma_wait3A_140] : memref<1000x128xf32, #tpu.memory_space<vmem>> -> memref<248x128xf32, #tpu.memory_space<vmem>>
    %dma_wait3A_142 = arith.constant 248 : i32
    %dma_wait3A_143 = tpu.memref_slice %arg3[%dma_wait3A_142, %add3A_138] : memref<1000x16384xf32, #tpu.memory_space<hbm>> -> memref<248x128xf32, #tpu.memory_space<hbm>>
    %dma_wait3A_144 = arith.constant 248 : i32
    %dma_wait3A_145 = tpu.memref_slice %arg3[%dma_wait3A_144, %add3A_138] : memref<1000x16384xf32, #tpu.memory_space<hbm>> -> memref<248x128xf32, #tpu.memory_space<hbm>>
    %dma_wait3A_146 = arith.constant 248 : i32
    %dma_wait3A_147 = arith.constant 0 : i32
    %dma_wait3A_148 = tpu.memref_slice %arg5[%dma_wait3A_146, %dma_wait3A_147] : memref<1000x128xf32, #tpu.memory_space<vmem>> -> memref<248x128xf32, #tpu.memory_space<vmem>>
    tpu.wait_dma2 semaphore(%arg7 : memref<!tpu.dma_semaphore, #tpu.memory_space<semaphore_mem>>) src(%dma_wait3A_148 : memref<248x128xf32, #tpu.memory_space<vmem>>) dst(%dma_wait3A_145 : memref<248x128xf32, #tpu.memory_space<hbm>>)
    %add3A_149 = arith.constant 384 : i32
    %add3A_150 = arith.addi %mul3A_2, %add3A_149 : i32
    %dma_wait3A_151 = arith.constant 496 : i32
    %dma_wait3A_152 = arith.constant 0 : i32
    %dma_wait3A_153 = tpu.memref_slice %arg5[%dma_wait3A_151, %dma_wait3A_152] : memref<1000x128xf32, #tpu.memory_space<vmem>> -> memref<248x128xf32, #tpu.memory_space<vmem>>
    %dma_wait3A_154 = arith.constant 496 : i32
    %dma_wait3A_155 = tpu.memref_slice %arg3[%dma_wait3A_154, %add3A_150] : memref<1000x16384xf32, #tpu.memory_space<hbm>> -> memref<248x128xf32, #tpu.memory_space<hbm>>
    %dma_wait3A_156 = arith.constant 496 : i32
    %dma_wait3A_157 = tpu.memref_slice %arg3[%dma_wait3A_156, %add3A_150] : memref<1000x16384xf32, #tpu.memory_space<hbm>> -> memref<248x128xf32, #tpu.memory_space<hbm>>
    %dma_wait3A_158 = arith.constant 496 : i32
    %dma_wait3A_159 = arith.constant 0 : i32
    %dma_wait3A_160 = tpu.memref_slice %arg5[%dma_wait3A_158, %dma_wait3A_159] : memref<1000x128xf32, #tpu.memory_space<vmem>> -> memref<248x128xf32, #tpu.memory_space<vmem>>
    tpu.wait_dma2 semaphore(%arg8 : memref<!tpu.dma_semaphore, #tpu.memory_space<semaphore_mem>>) src(%dma_wait3A_160 : memref<248x128xf32, #tpu.memory_space<vmem>>) dst(%dma_wait3A_157 : memref<248x128xf32, #tpu.memory_space<hbm>>)
    %add3A_161 = arith.constant 384 : i32
    %add3A_162 = arith.addi %mul3A_2, %add3A_161 : i32
    %dma_wait3A_163 = arith.constant 744 : i32
    %dma_wait3A_164 = arith.constant 0 : i32
    %dma_wait3A_165 = tpu.memref_slice %arg5[%dma_wait3A_163, %dma_wait3A_164] : memref<1000x128xf32, #tpu.memory_space<vmem>> -> memref<256x128xf32, #tpu.memory_space<vmem>>
    %dma_wait3A_166 = arith.constant 744 : i32
    %dma_wait3A_167 = tpu.memref_slice %arg3[%dma_wait3A_166, %add3A_162] : memref<1000x16384xf32, #tpu.memory_space<hbm>> -> memref<256x128xf32, #tpu.memory_space<hbm>>
    %dma_wait3A_168 = arith.constant 744 : i32
    %dma_wait3A_169 = tpu.memref_slice %arg3[%dma_wait3A_168, %add3A_162] : memref<1000x16384xf32, #tpu.memory_space<hbm>> -> memref<256x128xf32, #tpu.memory_space<hbm>>
    %dma_wait3A_170 = arith.constant 744 : i32
    %dma_wait3A_171 = arith.constant 0 : i32
    %dma_wait3A_172 = tpu.memref_slice %arg5[%dma_wait3A_170, %dma_wait3A_171] : memref<1000x128xf32, #tpu.memory_space<vmem>> -> memref<256x128xf32, #tpu.memory_space<vmem>>
    tpu.wait_dma2 semaphore(%arg9 : memref<!tpu.dma_semaphore, #tpu.memory_space<semaphore_mem>>) src(%dma_wait3A_172 : memref<256x128xf32, #tpu.memory_space<vmem>>) dst(%dma_wait3A_169 : memref<256x128xf32, #tpu.memory_space<hbm>>)
    return
  }
}

</mosaic_0001>

<sc_bundles>
// kernel: _onehot_t.3.cloned.1.call-start
scs
__scs_entry_jumppad:
0x0: {  	(pc) =	sbr.rel $0x88, $3  }
0x1: {  	(tag) =	ssettag $0x0;
	lr =	simm.s32 $0x1  }
0x2: {  	[smem:$0x3FA0] =	sst lr;
	_ =	strace $0xD0000000  }
0x3: {  	_ = 	snop  }
0x4: {  	_ = 	snop  }
0x5: {  	_ = 	snop  }
0x6: {  	_ = 	snop  }
0x7: {  	_ = 	snop  }
__scs_overlays_trampoline_lowered:
0x8: {  	[smem:$0x3FAF] =	sst s0  }
0x9: {  	[smem:$0x3FB0] =	sst s1  }
0xa: {  	[smem:$0x3FB1] =	sst s2  }
0xb: {  	[smem:$0x3FB2] =	sst s3  }
0xc: {  	[smem:$0x3FB3] =	sst s4  }
0xd: {  	[smem:$0x3FB4] =	sst s5  }
0xe: {  	[smem:$0x3FB5] =	sst s6  }
0xf: {  	[smem:$0x3FB6] =	sst s7  }
0x10: {  	[smem:$0x3FB7] =	sst s8  }
0x11: {  	[smem:$0x3FB8] =	sst s9;
	s0 =	simm.s32 @!p0 $0x0  }
0x12: {  	s1 =	sld [smem:$0x3F9E];
	s0 =	simm.s32 @p0 $0x1  }
0x13: {  	[smem:$0x3FB9] =	sst s0;
	s0 =	simm.s32 @!p1 $0x0  }
0x14: {  	s2 =	sld [smem:$0x3F9D];
	s0 =	simm.s32 @p1 $0x1  }
0x15: {  	[smem:$0x3FBA] =	sst s0;
	s0 =	simm.s32 @!p2 $0x0  }
0x16: {  	s3 =	sld [smem:$0x3FDB];
	s0 =	simm.s32 @p2 $0x1  }
0x17: {  	s4 =	simm.s32 $0x1BF5;
	[smem:$0x3FBC] =	sst s0  }
0x18: {  	s0 =	sld [smem:$0x3F9F];
	_ =	swait.ge [sflag:s4], $0x0  }
0x19: {  	s7 =	sld [smem:$0x3FA0]  }
0x1a: {  	s8 =	sadd.s32 $0xFFFFE003, lr  }
0x1b: {  	s9 =	sadd.s32 $0xFFFFFEF7, lr;
	s5 =	simm.s32 $0xFFFFFFFF;
	p2 =	slt.u32 s8, $0xFFFFF086  }
0x1c: {  	p1 =	slt.u32 s9, $0xF7A;
	s5 =	simm.s32 @!p2 $0x0  }
0x1d: {  	s5 =	simm.s32 @p1 $0x1;
	p0 =	seq.s32 s7, s2  }
0x1e: {  	s7 =	smul.u32 @!p0 $0xF7A, s2;
	p2 =	seq.s32 @!p0 s5, $0x0  }
0x1f: {  	s9 =	smul.u32 $0xF7A, s1;
	s8 =	simm.s32 @!p0 $0x1BF5;
	p2 =	por !p2, p0  }
0x20: {  	[sflag:s8] =	ssyncset.s32 @!p0 $0xFFFFF086;
	s6 =	sadd.s32 @!p0 s3, s7;
	s7 =	simm.s32 @!p0 $0x108  }
0x21: {  	s3 =	sadd.s32 s3, s9;
	s6 =	sadd.s32 @!p0 $0x88, s6;
	s7 =	simm.s32 @p2 $0x1082  }
0x22: {  	[simem:s7], [sflag:s8] =	dma.local @!p0 [hbm:s6], $0xF7A  }
0x23: {  	s9 =	sor.u32 $0xD0000000, s2;
	s6 =	simm.s32 $0x108;
	_ =	swait.ge @!p0 [sflag:s8], $0x0  }
0x24: {  	s3 =	sadd.s32 $0x88, s3;
	s6 =	simm.s32 @!p1 $0x1082;
	[sflag:s4] =	ssyncset.s32 $0xFFFFF086  }
0x25: {  	[simem:s6], [sflag:s4] =	dma.local [hbm:s3], $0xF7A  }
0x26: {  	[smem:$0x3FA0] =	sst s1;
	(tag) =	ssettag s2;
	_ =	strace s9  }
0x27: {  	s1 =	sld [smem:$0x3FB0]  }
0x28: {  	s2 =	sld [smem:$0x3FB1]  }
0x29: {  	s4 =	sld [smem:$0x3FB3]  }
0x2a: {  	p0 =	seq.s32 s5, $0x0;
	s5 =	sld [smem:$0x3FB4]  }
0x2b: {  	s6 =	sld [smem:$0x3FB5]  }
0x2c: {  	s7 =	sld [smem:$0x3FB6]  }
0x2d: {  	s3 =	simm.s32 $0x108;
	s8 =	sld [smem:$0x3FB7]  }
0x2e: {  	s3 =	simm.s32 @!p0 $0x1082;
	s9 =	sld [smem:$0x3FB8]  }
0x2f: {  	lr =	sadd.s32 s0, s3;
	s0 =	sld [smem:$0x3FAF]  }
0x30: {  	s3 =	sld [smem:$0x3FB2]  }
0x31: {  	[smem:$0x3FBB] =	sst s10  }
0x32: {  	s10 =	sld [smem:$0x3FB9];
	_ =	sdelay $0x3  }
0x33: {  	p0 =	seq.s32 s10, $0x1;
	s10 =	sld [smem:$0x3FBB];
	_ =	sdelay $0x3  }
0x34: {  	[smem:$0x3FBB] =	sst s10  }
0x35: {  	s10 =	sld [smem:$0x3FBA];
	_ =	sdelay $0x3  }
0x36: {  	p1 =	seq.s32 s10, $0x1;
	s10 =	sld [smem:$0x3FBB];
	_ =	sdelay $0x3  }
0x37: {  	[smem:$0x3FBB] =	sst s10  }
0x38: {  	s10 =	sld [smem:$0x3FBC]  }
0x39: {  	_ = 	snop;
	(pc) =	sbr.ind lr, $3  }
0x3a: {  	_ = 	snop  }
0x3b: {  	_ = 	snop  }
0x3c: {  	p2 =	seq.s32 s10, $0x1;
	s10 =	sld [smem:$0x3FBB]  }
0x3d: {  	_ =	shalt  }
0x3e: {  	_ =	shalt  }
0x3f: {  	_ =	shalt  }
0x40: {  	_ =	shalt  }
0x41: {  	_ =	shalt  }
0x42: {  	_ =	shalt  }
0x43: {  	_ =	shalt  }
0x44: {  	_ =	shalt  }
0x45: {  	_ =	shalt  }
0x46: {  	_ =	shalt  }
0x47: {  	_ =	shalt  }
0x48: {  	_ =	shalt  }
0x49: {  	_ =	shalt  }
0x4a: {  	_ =	shalt  }
0x4b: {  	_ =	shalt  }
0x4c: {  	_ =	shalt  }
0x4d: {  	_ =	shalt  }
0x4e: {  	_ =	shalt  }
0x4f: {  	_ =	shalt  }
0x50: {  	_ =	shalt  }
0x51: {  	_ =	shalt  }
0x52: {  	_ =	shalt  }
0x53: {  	_ =	shalt  }
0x54: {  	_ =	shalt  }
0x55: {  	_ =	shalt  }
0x56: {  	_ =	shalt  }
0x57: {  	_ =	shalt  }
0x58: {  	_ =	shalt  }
0x59: {  	_ =	shalt  }
0x5a: {  	_ =	shalt  }
0x5b: {  	_ =	shalt  }
0x5c: {  	_ =	shalt  }
0x5d: {  	_ =	shalt  }
0x5e: {  	_ =	shalt  }
0x5f: {  	_ =	shalt  }
0x60: {  	_ =	shalt  }
0x61: {  	_ =	shalt  }
0x62: {  	_ =	shalt  }
0x63: {  	_ =	shalt  }
0x64: {  	_ =	shalt  }
0x65: {  	_ =	shalt  }
0x66: {  	_ =	shalt  }
0x67: {  	_ =	shalt  }
0x68: {  	_ =	shalt  }
0x69: {  	_ =	shalt  }
0x6a: {  	_ =	shalt  }
0x6b: {  	_ =	shalt  }
0x6c: {  	_ =	shalt  }
0x6d: {  	_ =	shalt  }
0x6e: {  	_ =	shalt  }
0x6f: {  	_ =	shalt  }
0x70: {  	_ =	shalt  }
0x71: {  	_ =	shalt  }
0x72: {  	_ =	shalt  }
0x73: {  	_ =	shalt  }
0x74: {  	_ =	shalt  }
0x75: {  	_ =	shalt  }
0x76: {  	_ =	shalt  }
0x77: {  	_ =	shalt  }
0x78: {  	_ =	shalt  }
0x79: {  	_ =	shalt  }
0x7a: {  	_ =	shalt  }
0x7b: {  	_ =	shalt  }
0x7c: {  	_ =	shalt  }
0x7d: {  	_ =	shalt  }
0x7e: {  	_ =	shalt  }
0x7f: {  	_ =	shalt  }
0x80: {  	_ =	shalt  }
0x81: {  	_ =	shalt  }
0x82: {  	_ =	shalt  }
0x83: {  	_ =	shalt  }
0x84: {  	_ =	shalt  }
0x85: {  	_ =	shalt  }
0x86: {  	_ =	shalt  }
0x87: {  	_ =	shalt  }
.Lfunc_end0:
.L_simem_size_0:
called_computation_lowered:
.L_overlay_start_0:
0x88: {  	s2 =	sld [smem:$0x3FD9]  }
0x89: {  	s3 =	sld [smem:$0x3FFE];
	_ =	sdelay $0x1  }
0x8a: {  	s1 =	srdreg.scid  }
0x8b: {  	s0 =	sand.u32 $0x1, s1  }
0x8c: {  	s18 =	sshll.u32 s0, $0xA;
	s2 =	sadd.s32 s3, s2  }
0x8d: {  	s2 =	sadd.s32 s2, s18  }
0x8e: {  	[smem:$0x3FC7] =	sst s2  }
0x8f: {  	_ = 	snop  }
0x90: {  	s2 =	sld [smem:$0x3FC9]  }
0x91: {  	s19 =	sld [smem:$0x3FD0];
	(tm) =	ssettm $0x1  }
0x92: {  	s4 =	sld [smem:$0x3FFB];
	_ =	sdelay $0x3  }
0x93: {  	_ =	strace s4  }
0x94: {  	s4 =	sld [smem:$0x3FFC];
	_ =	sdelay $0x3  }
0x95: {  	_ =	strace s4  }
0x96: {  	s4 =	sld [smem:$0x3FFD];
	_ =	sdelay $0x3  }
0x97: {  	_ =	strace s4  }
0x98: {  	_ =	strace $0x8FFFFFFF  }
0x99: {  	s20 =	sld [smem:$0x3FDB];
	_ =	sdelay $0x1  }
0x9a: {  	s5 =	simm.s32 $_scs_section_size  }
0x9b: {  	s6 =	simm.s32 $_size__tile_overlayer_lowered;
	s7 =	simm.s32 $_tile_overlayer_lowered  }
0x9c: {  	s23 =	simm.s32 $0x1BFF;
	s22 =	sshll.u32 s7, $0x1;
	s4 =	sadd.s32 s5, s20  }
0x9d: {  	s8 =	simm.s32 $0x0;
	s21 =	sshll.u32 s6, $0x1;
	s6 =	sadd.s32 s22, s4  }
0x9e: {  	[timem:s8], [sflag:s23] =	dma.local [hbm:s6], s21  }
0x9f: {  	_ =	swait.ge [sflag:s23], s21  }
0xa0: {  	s5 =	ssub.s32 $0x0, s21;
	[sflag:s23] =	ssyncset.done $0x0  }
0xa1: {  	[sflag:s23] =	ssyncadd.s32 s5;
	_ =	sdelay $0x1  }
0xa2: {  	s24 =	simm.s32 $0x1B8B  }
0xa3: {  	_ =	swait.ge [sflag:s24], $0x1  }
0xa4: {  	[sflag:s24] =	ssyncset.done $0x0  }
0xa5: {  	s25 =	simm.s32 $0x1B8E;
	[sflag:s24] =	ssyncadd.s32 $0xFFFFFFFF  }
0xa6: {  	s26 =	simm.s32 $execute0_lowered;
	[smem:$0x3FD2] =	sst s25  }
0xa7: {  	s5 =	sshll.u32 s26, $0x1;
	_ =	strace $0x80000046;
	[dreg:$0x1] =	wrdreg $0xFFFFFFFF  }
0xa8: {  	s28 =	simm.s32 $_size_execute0_lowered;
	s4 =	sadd.s32 s4, s5;
	[dreg:$0x0] =	wrdreg $0x0  }
0xa9: {  	s5 =	sshll.u32 s28, $0x1;
	[dreg:$0x2] =	wrdreg s4  }
0xaa: {  	[dreg:$0x3] =	wrdreg s5  }
0xab: {  	[dreg:$0x4] =	wrdreg $0xC0  }
0xac: {  	_ =	task [dreg:s8], $0x5FFFF  }
0xad: {  	[dreg:$0x1] =	wrdreg $0xFFFFFFFF  }
0xae: {  	[dreg:$0x0] =	wrdreg $0x60  }
0xaf: {  	[dreg:$0x2] =	wrdreg s2  }
0xb0: {  	[dreg:$0x3] =	wrdreg s19  }
0xb1: {  	[dreg:$0x4] =	wrdreg $0x9  }
0xb2: {  	_ =	task.clear_ibuf [dreg:s8], $0x5FFFF;
	_ =	strace $0x90000046  }
0xb3: {  	s29 =	simm.s32 $0x9;
	_ =	strace $0x80000048  }
0xb4: {  	_ =	swait.ge [sflag:s29], $0x1  }
0xb5: {  	[sflag:s29] =	ssyncadd.s32 $0xFFFFFFFF  }
0xb6: {  	_ =	strace $0x90000048  }
0xb7: {  	_ =	sfence  }
0xb8: {  	s30 =	sld [smem:$0x0];
	_ =	sdelay $0x2  }
0xb9: {  	s31 =	sshll.u32 s1, $0xD;
	s1 =	sshrl.u32 s1, $0x2  }
0xba: {  	s3 =	sand.u32 $0x4000, s31;
	s1 =	sadd.s32 s1, s30  }
0xbb: {  	s0 =	sor.u32 s3, s0;
	s1 =	sshll.u32 s1, $0x11  }
0xbc: {  	s0 =	sor.u32 s1, s0  }
0xbd: {  	s0 =	sadd.s32 $0x8F2B, s0  }
0xbe: {  	[sflag:s0] =	ssyncadd.remote.s32 $0x1  }
0xbf: {  	_ =	sfence.sel $0xFFFF  }
0xc0: {  	[dreg:$0x0] =	wrdreg $0xFFFFFFFF;
	(pc) =	sbr.abs _section_cstart, $3  }
0xc1: {  	[dreg:$0x1] =	wrdreg $0xFFFFFFFF  }
0xc2: {  	_ =	task.clear_ibuf [dreg:s8], $0x2FFFF;
	_ =	strace $0x9FFFFFFF  }
0xc3: {  	(tm) =	ssettm $0x7FFFFFFF  }
tec
execute0_lowered:
.L_overlay_start_1:
0x0: {  	(tag) =	ssettag $0x1  }
0x1: {  	s0 =	rddreg [dreg:$0x0]  }
0x2: {  	s2 =	rddreg [dreg:$0x1];
	s1 =	srdreg.scid  }
0x3: {  	s5 =	simm.s32 $0x0;
	s4 =	stileid.u32;
	s14 =	simm.s32 $0x5  }
0x4: {  	s15 =	simm.s32 $0x200;
	s16 =	simm.s32 $0x400;
	s17 =	simm.s32 $0x20000  }
0x5: {  	s18 =	simm.s32 $0x7E00;
	s19 =	simm.s32 $0xFA00;
	s20 =	simm.s32 $0x17600  }
0x6: {  	s21 =	simm.s32 $0x1;
	s22 =	simm.s32 $0x2;
	s23 =	simm.s32 $0x3  }
0x7: {  	s24 =	simm.s32 $0x4;
	s25 =	simm.s32 $0x0;
	s1 =	sand.u32 $0x1, s1  }
0x8: {  	s4 =	sshll.u32 s4, $0xA;
	[smem:$0x7FF] =	sst s5;
	s7 =	sadd.s32 $0x7C000, s2  }
0x9: {  	s9 =	sadd.s32 $0xF8000, s2;
	s3 =	ssub.s32 $0x2, s1;
	s1 =	sshll.u32 s1, $0x9  }
0xa: {  	s10 =	sadd.s32 $0x174000, s2;
	s29 =	sshrl.u32 s3, $0x1;
	s4 =	sor.u32 s1, s4  }
0xb: {  	_ =	strace $0x80000047;
	s30 =	ssub.s32 s3, s29;
	s31 =	sshrl.u32 s4, $0x3  }
0xc: {  	s6 =	sadd.s32 s2, s4;
	s8 =	sadd.s32 s4, s7;
	s11 =	sadd.s32 s4, s9  }
0xd: {  	v0 =	vimm.f32 $0.0e+00;
	v1 =	vlaneseq.u32;
	v2 =	vimm.f32 $1.000000000e+00;
	s12 =	sadd.s32 s4, s10;
	s5 =	sadd.s32 s0, s31;
	s13 =	smax.u32 s30, $0x1  }
.LBB2_1:
0xe: {  	s0 =	simm.s32 $0x0  }
0xf: {  	[tilespmem:s0], [sflag:$0x5] =	stream.linear.gather [hbm4b:s5+s0], $0x200, $0x38;
	[tilespmem:$0x1F600] =	vst v63  }
0x10: {  	s1 =	simm.s32 $0x200;
	s0 =	simm.s32 $0x0  }
.LBB2_2:
0x11: {  	p0 =	sne.s32 s1, $0x1EE00;
	[tilespmem:s0+$0x270] =	vst v0  }
0x12: {  	[tilespmem:s0+$0x200] =	vst v0  }
0x13: {  	[tilespmem:s0+$0x210] =	vst v0  }
.Ltmp0:
0x14: {  	[tilespmem:s0+$0x220] =	vst v0;
	(pc) =	sbr.rel @p0 .LBB2_2-.Ltmp0, $4  }
0x15: {  	[tilespmem:s0+$0x230] =	vst v0  }
0x16: {  	[tilespmem:s0+$0x240] =	vst v0  }
0x17: {  	[tilespmem:s0+$0x250] =	vst v0  }
0x18: {  	[tilespmem:s0+$0x260] =	vst v0;
	s0 =	sshra.s32 s1, $0x2;
	s1 =	sadd.s32 $0x200, s1  }
0x19: {  	[tilespmem:s0+$0x270] =	vst v0  }
0x1a: {  	[tilespmem:s0+$0x200] =	vst v0  }
0x1b: {  	[tilespmem:s0+$0x210] =	vst v0  }
0x1c: {  	[tilespmem:s0+$0x220] =	vst v0  }
0x1d: {  	[tilespmem:s0+$0x230] =	vst v0  }
0x1e: {  	[tilespmem:s0+$0x240] =	vst v0  }
0x1f: {  	[tilespmem:s0+$0x250] =	vst v0  }
0x20: {  	[tilespmem:s0+$0x260] =	vst v0  }
0x21: {  	_ =	swait.ge [sflag:s14], $0x200  }
0x22: {  	[sflag:s14] =	ssyncset.done $0x0  }
0x23: {  	s26 =	simm.s32 $0x0;
	[sflag:s14] =	ssyncadd.s32 $0xFFFFFE00  }
0x24: {  	s0 =	simm.s32 $0x10;
	s1 =	simm.s32 $0x0;
	v3 =	vld [tilespmem:s26+$0x0]  }
.LBB2_4:
0x25: {  	p0 =	sne.s32 s0, $0x70;
	_ =	sdelay $0x3  }
0x26: {  	v4 =	vshll.u32 v3, $0x7  }
0x27: {  	vm0 =	vlt.s32 v3, $0xF8;
	v3 =	vadd.s32 s26, v4;
	s26 =	smov.u32 s0  }
0x28: {  	v3 =	vadd.s32 v1, v3;
	_ =	sdelay $0x1  }
.Ltmp1:
0x29: {  	(pc) =	sbr.rel @p0 .LBB2_4-.Ltmp1, $3  }
0x2a: {  	_ =	sdelay $0x1  }
0x2b: {  	s1 =	sadd.s32 $0x10, s1;
	[tilespmem:v3+s15+$0x0] =	vst.idx.msk vm0, v2  }
0x2c: {  	s0 =	sadd.s32 $0x10, s0;
	v3 =	vld [tilespmem:s1+$0x0]  }
0x2d: {  	_ =	sdelay $0x3  }
0x2e: {  	v4 =	vshll.u32 v3, $0x7  }
0x2f: {  	vm0 =	vlt.s32 v3, $0xF8;
	v3 =	vadd.s32 s26, v4  }
0x30: {  	v3 =	vadd.s32 v1, v3;
	_ =	sdelay $0x4  }
0x31: {  	s0 =	simm.s32 $0x0;
	s1 =	simm.s32 $0x200;
	s26 =	simm.s32 $0x0;
	[tilespmem:v3+s15+$0x0] =	vst.idx.msk vm0, v2  }
0x32: {  	[hbm4b:s6+s16] =	stream.strided.scatter [tilespmem:s15], [sflag:$0x1], $0x7C00, s17, s16, $0x38;
	[tilespmem:$0x1F600] =	vst v63  }
.LBB2_6:
0x33: {  	p0 =	sne.s32 s1, $0x1EE00;
	[tilespmem:s0+$0x7E70] =	vst v0  }
0x34: {  	[tilespmem:s0+$0x7E00] =	vst v0  }
0x35: {  	[tilespmem:s0+$0x7E10] =	vst v0  }
.Ltmp2:
0x36: {  	[tilespmem:s0+$0x7E20] =	vst v0;
	(pc) =	sbr.rel @p0 .LBB2_6-.Ltmp2, $4  }
0x37: {  	[tilespmem:s0+$0x7E30] =	vst v0  }
0x38: {  	[tilespmem:s0+$0x7E40] =	vst v0  }
0x39: {  	[tilespmem:s0+$0x7E50] =	vst v0  }
0x3a: {  	[tilespmem:s0+$0x7E60] =	vst v0;
	s0 =	sshra.s32 s1, $0x2;
	s1 =	sadd.s32 $0x200, s1  }
0x3b: {  	[tilespmem:s0+$0x7E70] =	vst v0  }
0x3c: {  	[tilespmem:s0+$0x7E00] =	vst v0  }
0x3d: {  	[tilespmem:s0+$0x7E10] =	vst v0  }
0x3e: {  	[tilespmem:s0+$0x7E20] =	vst v0  }
0x3f: {  	[tilespmem:s0+$0x7E30] =	vst v0  }
0x40: {  	[tilespmem:s0+$0x7E40] =	vst v0  }
0x41: {  	[tilespmem:s0+$0x7E50] =	vst v0  }
0x42: {  	[tilespmem:s0+$0x7E60] =	vst v0  }
0x43: {  	s0 =	simm.s32 $0x10;
	s1 =	simm.s32 $0x0;
	v3 =	vld [tilespmem:s26+$0x0]  }
.LBB2_8:
0x44: {  	p0 =	sne.s32 s0, $0x70;
	_ =	sdelay $0x3  }
0x45: {  	v4 =	vadd.s32 $0xFFFFFF08, v3;
	v3 =	vshll.u32 v3, $0x7  }
0x46: {  	vm0 =	vlt.u32 v4, $0xF8;
	v3 =	vadd.s32 s26, v3;
	s26 =	smov.u32 s0  }
0x47: {  	v3 =	vadd.s32 v1, v3;
	_ =	sdelay $0x1  }
.Ltmp3:
0x48: {  	(pc) =	sbr.rel @p0 .LBB2_8-.Ltmp3, $3  }
0x49: {  	_ =	sdelay $0x1  }
0x4a: {  	s1 =	sadd.s32 $0x10, s1;
	[tilespmem:v3+s15+$0x0] =	vst.idx.msk vm0, v2  }
0x4b: {  	s0 =	sadd.s32 $0x10, s0;
	v3 =	vld [tilespmem:s1+$0x0]  }
0x4c: {  	_ =	sdelay $0x3  }
0x4d: {  	v4 =	vadd.s32 $0xFFFFFF08, v3;
	v3 =	vshll.u32 v3, $0x7  }
0x4e: {  	vm0 =	vlt.u32 v4, $0xF8;
	v3 =	vadd.s32 s26, v3  }
0x4f: {  	v3 =	vadd.s32 v1, v3;
	_ =	sdelay $0x4  }
0x50: {  	s0 =	simm.s32 $0x0;
	s1 =	simm.s32 $0x200;
	s26 =	simm.s32 $0x0;
	[tilespmem:v3+s15+$0x0] =	vst.idx.msk vm0, v2  }
0x51: {  	[hbm4b:s8+s16] =	stream.strided.scatter [tilespmem:s18], [sflag:$0x2], $0x7C00, s17, s16, $0x38;
	[tilespmem:$0x1F600] =	vst v63  }
.LBB2_10:
0x52: {  	p0 =	sne.s32 s1, $0x1EE00;
	[tilespmem:s0+$0xFA70] =	vst v0  }
0x53: {  	[tilespmem:s0+$0xFA00] =	vst v0  }
0x54: {  	[tilespmem:s0+$0xFA10] =	vst v0  }
.Ltmp4:
0x55: {  	[tilespmem:s0+$0xFA20] =	vst v0;
	(pc) =	sbr.rel @p0 .LBB2_10-.Ltmp4, $4  }
0x56: {  	[tilespmem:s0+$0xFA30] =	vst v0  }
0x57: {  	[tilespmem:s0+$0xFA40] =	vst v0  }
0x58: {  	[tilespmem:s0+$0xFA50] =	vst v0  }
0x59: {  	[tilespmem:s0+$0xFA60] =	vst v0;
	s0 =	sshra.s32 s1, $0x2;
	s1 =	sadd.s32 $0x200, s1  }
0x5a: {  	[tilespmem:s0+$0xFA70] =	vst v0  }
0x5b: {  	[tilespmem:s0+$0xFA00] =	vst v0  }
0x5c: {  	[tilespmem:s0+$0xFA10] =	vst v0  }
0x5d: {  	[tilespmem:s0+$0xFA20] =	vst v0  }
0x5e: {  	[tilespmem:s0+$0xFA30] =	vst v0  }
0x5f: {  	[tilespmem:s0+$0xFA40] =	vst v0  }
0x60: {  	[tilespmem:s0+$0xFA50] =	vst v0  }
0x61: {  	[tilespmem:s0+$0xFA60] =	vst v0  }
0x62: {  	s0 =	simm.s32 $0x10;
	s1 =	simm.s32 $0x0;
	v3 =	vld [tilespmem:s26+$0x0]  }
.LBB2_12:
0x63: {  	p0 =	sne.s32 s0, $0x70;
	_ =	sdelay $0x3  }
0x64: {  	v4 =	vadd.s32 $0xFFFFFE10, v3;
	v3 =	vshll.u32 v3, $0x7  }
0x65: {  	vm0 =	vlt.u32 v4, $0xF8;
	v3 =	vadd.s32 s26, v3;
	s26 =	smov.u32 s0  }
0x66: {  	v3 =	vadd.s32 v1, v3;
	_ =	sdelay $0x1  }
.Ltmp5:
0x67: {  	(pc) =	sbr.rel @p0 .LBB2_12-.Ltmp5, $3  }
0x68: {  	_ =	sdelay $0x1  }
0x69: {  	s1 =	sadd.s32 $0x10, s1;
	[tilespmem:v3+s15+$0x0] =	vst.idx.msk vm0, v2  }
0x6a: {  	s0 =	sadd.s32 $0x10, s0;
	v3 =	vld [tilespmem:s1+$0x0]  }
0x6b: {  	_ =	sdelay $0x3  }
0x6c: {  	v4 =	vadd.s32 $0xFFFFFE10, v3;
	v3 =	vshll.u32 v3, $0x7  }
0x6d: {  	vm0 =	vlt.u32 v4, $0xF8;
	v3 =	vadd.s32 s26, v3  }
0x6e: {  	v3 =	vadd.s32 v1, v3;
	_ =	sdelay $0x4  }
0x6f: {  	s0 =	simm.s32 $0x0;
	s1 =	simm.s32 $0x200;
	s26 =	simm.s32 $0x0;
	[tilespmem:v3+s15+$0x0] =	vst.idx.msk vm0, v2  }
0x70: {  	[hbm4b:s11+s16] =	stream.strided.scatter [tilespmem:s19], [sflag:$0x3], $0x7C00, s17, s16, $0x38;
	[tilespmem:$0x1F600] =	vst v63  }
.LBB2_14:
0x71: {  	p0 =	sne.s32 s1, $0x1FE00;
	[tilespmem:s0+$0x17670] =	vst v0  }
0x72: {  	[tilespmem:s0+$0x17600] =	vst v0  }
0x73: {  	[tilespmem:s0+$0x17610] =	vst v0  }
.Ltmp6:
0x74: {  	[tilespmem:s0+$0x17620] =	vst v0;
	(pc) =	sbr.rel @p0 .LBB2_14-.Ltmp6, $4  }
0x75: {  	[tilespmem:s0+$0x17630] =	vst v0  }
0x76: {  	[tilespmem:s0+$0x17640] =	vst v0  }
0x77: {  	[tilespmem:s0+$0x17650] =	vst v0  }
0x78: {  	[tilespmem:s0+$0x17660] =	vst v0;
	s0 =	sshra.s32 s1, $0x2;
	s1 =	sadd.s32 $0x200, s1  }
0x79: {  	[tilespmem:s0+$0x17670] =	vst v0  }
0x7a: {  	[tilespmem:s0+$0x17600] =	vst v0  }
0x7b: {  	[tilespmem:s0+$0x17610] =	vst v0  }
0x7c: {  	[tilespmem:s0+$0x17620] =	vst v0  }
0x7d: {  	[tilespmem:s0+$0x17630] =	vst v0  }
0x7e: {  	[tilespmem:s0+$0x17640] =	vst v0  }
0x7f: {  	[tilespmem:s0+$0x17650] =	vst v0  }
0x80: {  	[tilespmem:s0+$0x17660] =	vst v0  }
0x81: {  	s0 =	simm.s32 $0x10;
	s1 =	simm.s32 $0x0;
	v3 =	vld [tilespmem:s26+$0x0]  }
.LBB2_16:
0x82: {  	p0 =	sne.s32 s0, $0x70;
	_ =	sdelay $0x3  }
0x83: {  	v4 =	vadd.s32 $0xFFFFFD18, v3;
	v3 =	vshll.u32 v3, $0x7  }
0x84: {  	vm0 =	vlt.u32 v4, $0x100;
	v3 =	vadd.s32 s26, v3;
	s26 =	smov.u32 s0  }
0x85: {  	v3 =	vadd.s32 v1, v3;
	_ =	sdelay $0x1  }
.Ltmp7:
0x86: {  	(pc) =	sbr.rel @p0 .LBB2_16-.Ltmp7, $3  }
0x87: {  	_ =	sdelay $0x1  }
0x88: {  	s1 =	sadd.s32 $0x10, s1;
	[tilespmem:v3+s15+$0x0] =	vst.idx.msk vm0, v2  }
0x89: {  	s0 =	sadd.s32 $0x10, s0;
	v3 =	vld [tilespmem:s1+$0x0]  }
0x8a: {  	_ =	sdelay $0x3  }
0x8b: {  	v4 =	vadd.s32 $0xFFFFFD18, v3;
	v3 =	vshll.u32 v3, $0x7  }
0x8c: {  	vm0 =	vlt.u32 v4, $0x100;
	v3 =	vadd.s32 s26, v3  }
0x8d: {  	v3 =	vadd.s32 v1, v3;
	_ =	sdelay $0x4  }
0x8e: {  	s3 =	simm.s32 $0x0;
	s29 =	simm.s32 $0x80;
	s26 =	simm.s32 $0x1;
	[tilespmem:v3+s15+$0x0] =	vst.idx.msk vm0, v2  }
0x8f: {  	[hbm4b:s12+s16] =	stream.strided.scatter [tilespmem:s20], [sflag:$0x4], $0x8000, s17, s16, $0x38;
	[tilespmem:$0x1F600] =	vst v63  }
.LBB2_18:
0x90: {  	_ =	swait.ge [sflag:s21], $0x7C00  }
0x91: {  	s30 =	sshll.u32 s26, $0x7;
	[sflag:s21] =	ssyncset.done $0x0  }
0x92: {  	s0 =	smov.u32 s3;
	s1 =	simm.s32 $0x0;
	[sflag:s21] =	ssyncadd.s32 $0xFFFF8400  }
.LBB2_19:
0x93: {  	v3 =	vld [tilespmem:s0+$0x0];
	_ =	sdelay $0x4  }
0x94: {  	v4 =	vshll.u32 v3, $0x7  }
0x95: {  	vm0 =	vlt.s32 v3, $0xF8;
	v3 =	vadd.s32 s1, v4  }
0x96: {  	p0 =	sne.s32 s1, $0x70;
	v3 =	vadd.s32 v1, v3  }
.Ltmp8:
0x97: {  	_ = 	snop;
	(pc) =	sbr.rel @p0 .LBB2_19-.Ltmp8, $2  }
0x98: {  	_ =	sdelay $0x2  }
0x99: {  	s0 =	sadd.s32 $0x10, s0;
	s1 =	sadd.s32 $0x10, s1;
	[tilespmem:v3+s15+$0x0] =	vst.idx.msk vm0, v0  }
0x9a: {  	s31 =	simm.s32 $0x0;
	v3 =	vld [tilespmem:s29+$0x0];
	s0 =	simm.s32 $0x10;
	s1 =	smov.u32 s29  }
.LBB2_21:
0x9b: {  	p0 =	sne.s32 s0, $0x70;
	_ =	sdelay $0x3  }
0x9c: {  	v4 =	vshll.u32 v3, $0x7  }
0x9d: {  	vm0 =	vlt.s32 v3, $0xF8;
	v3 =	vadd.s32 s31, v4;
	s31 =	smov.u32 s0  }
0x9e: {  	v3 =	vadd.s32 v1, v3;
	_ =	sdelay $0x1  }
.Ltmp9:
0x9f: {  	(pc) =	sbr.rel @p0 .LBB2_21-.Ltmp9, $3  }
0xa0: {  	_ =	sdelay $0x1  }
0xa1: {  	s1 =	sadd.s32 $0x10, s1;
	[tilespmem:v3+s15+$0x0] =	vst.idx.msk vm0, v2  }
0xa2: {  	s0 =	sadd.s32 $0x10, s0;
	v3 =	vld [tilespmem:s1+$0x0]  }
0xa3: {  	_ =	sdelay $0x3  }
0xa4: {  	v4 =	vshll.u32 v3, $0x7  }
0xa5: {  	vm0 =	vlt.s32 v3, $0xF8;
	v3 =	vadd.s32 s31, v4  }
0xa6: {  	v3 =	vadd.s32 v1, v3;
	_ =	sdelay $0x3  }
0xa7: {  	s30 =	sor.u32 s4, s30  }
0xa8: {  	s0 =	sadd.s32 s2, s30;
	[tilespmem:v3+s15+$0x0] =	vst.idx.msk vm0, v2  }
0xa9: {  	[hbm4b:s0+s16] =	stream.strided.scatter [tilespmem:s15], [sflag:$0x1], $0x7C00, s17, s16, $0x38;
	[tilespmem:$0x1F600] =	vst v63  }
0xaa: {  	_ =	swait.ge [sflag:s22], $0x7C00  }
0xab: {  	[sflag:s22] =	ssyncset.done $0x0  }
0xac: {  	s1 =	simm.s32 $0x10;
	[sflag:s22] =	ssyncadd.s32 $0xFFFF8400  }
0xad: {  	s28 =	smov.u32 s3;
	s31 =	simm.s32 $0x0;
	s0 =	simm.s32 $0x0;
	v3 =	vld [tilespmem:s3+$0x0]  }
.LBB2_23:
0xae: {  	p0 =	sne.s32 s1, $0x70;
	_ =	sdelay $0x3  }
0xaf: {  	v4 =	vadd.s32 $0xFFFFFF08, v3;
	v3 =	vshll.u32 v3, $0x7  }
0xb0: {  	vm0 =	vlt.u32 v4, $0xF8;
	v3 =	vadd.s32 s0, v3;
	s0 =	smov.u32 s1  }
0xb1: {  	v3 =	vadd.s32 v1, v3;
	_ =	sdelay $0x1  }
.Ltmp10:
0xb2: {  	(pc) =	sbr.rel @p0 .LBB2_23-.Ltmp10, $3  }
0xb3: {  	_ =	sdelay $0x1  }
0xb4: {  	s28 =	sadd.s32 $0x10, s28;
	[tilespmem:v3+s15+$0x0] =	vst.idx.msk vm0, v0  }
0xb5: {  	s1 =	sadd.s32 $0x10, s1;
	v3 =	vld [tilespmem:s28+$0x0]  }
0xb6: {  	_ =	sdelay $0x3  }
0xb7: {  	v4 =	vadd.s32 $0xFFFFFF08, v3;
	v3 =	vshll.u32 v3, $0x7  }
0xb8: {  	vm0 =	vlt.u32 v4, $0xF8;
	v3 =	vadd.s32 s0, v3  }
0xb9: {  	v3 =	vadd.s32 v1, v3;
	_ =	sdelay $0x4  }
0xba: {  	[tilespmem:v3+s15+$0x0] =	vst.idx.msk vm0, v0  }
0xbb: {  	s1 =	smov.u32 s29;
	s0 =	simm.s32 $0x10;
	v3 =	vld [tilespmem:s29+$0x0]  }
.LBB2_25:
0xbc: {  	p0 =	sne.s32 s0, $0x70;
	_ =	sdelay $0x3  }
0xbd: {  	v4 =	vadd.s32 $0xFFFFFF08, v3;
	v3 =	vshll.u32 v3, $0x7  }
0xbe: {  	vm0 =	vlt.u32 v4, $0xF8;
	v3 =	vadd.s32 s31, v3;
	s31 =	smov.u32 s0  }
0xbf: {  	v3 =	vadd.s32 v1, v3;
	_ =	sdelay $0x1  }
.Ltmp11:
0xc0: {  	(pc) =	sbr.rel @p0 .LBB2_25-.Ltmp11, $3  }
0xc1: {  	_ =	sdelay $0x1  }
0xc2: {  	s1 =	sadd.s32 $0x10, s1;
	[tilespmem:v3+s15+$0x0] =	vst.idx.msk vm0, v2  }
0xc3: {  	s0 =	sadd.s32 $0x10, s0;
	v3 =	vld [tilespmem:s1+$0x0]  }
0xc4: {  	_ =	sdelay $0x3  }
0xc5: {  	v4 =	vadd.s32 $0xFFFFFF08, v3;
	v3 =	vshll.u32 v3, $0x7  }
0xc6: {  	vm0 =	vlt.u32 v4, $0xF8;
	v3 =	vadd.s32 s31, v3  }
0xc7: {  	v3 =	vadd.s32 v1, v3;
	_ =	sdelay $0x4  }
0xc8: {  	s0 =	sadd.s32 s30, s7;
	[tilespmem:v3+s15+$0x0] =	vst.idx.msk vm0, v2  }
0xc9: {  	[hbm4b:s0+s16] =	stream.strided.scatter [tilespmem:s18], [sflag:$0x2], $0x7C00, s17, s16, $0x38;
	[tilespmem:$0x1F600] =	vst v63  }
0xca: {  	_ =	swait.ge [sflag:s23], $0x7C00  }
0xcb: {  	[sflag:s23] =	ssyncset.done $0x0  }
0xcc: {  	s1 =	simm.s32 $0x10;
	[sflag:s23] =	ssyncadd.s32 $0xFFFF8400  }
0xcd: {  	s28 =	smov.u32 s3;
	s31 =	simm.s32 $0x0;
	s0 =	simm.s32 $0x0;
	v3 =	vld [tilespmem:s3+$0x0]  }
.LBB2_27:
0xce: {  	p0 =	sne.s32 s1, $0x70;
	_ =	sdelay $0x3  }
0xcf: {  	v4 =	vadd.s32 $0xFFFFFE10, v3;
	v3 =	vshll.u32 v3, $0x7  }
0xd0: {  	vm0 =	vlt.u32 v4, $0xF8;
	v3 =	vadd.s32 s0, v3;
	s0 =	smov.u32 s1  }
0xd1: {  	v3 =	vadd.s32 v1, v3;
	_ =	sdelay $0x1  }
.Ltmp12:
0xd2: {  	(pc) =	sbr.rel @p0 .LBB2_27-.Ltmp12, $3  }
0xd3: {  	_ =	sdelay $0x1  }
0xd4: {  	s28 =	sadd.s32 $0x10, s28;
	[tilespmem:v3+s15+$0x0] =	vst.idx.msk vm0, v0  }
0xd5: {  	s1 =	sadd.s32 $0x10, s1;
	v3 =	vld [tilespmem:s28+$0x0]  }
0xd6: {  	_ =	sdelay $0x3  }
0xd7: {  	v4 =	vadd.s32 $0xFFFFFE10, v3;
	v3 =	vshll.u32 v3, $0x7  }
0xd8: {  	vm0 =	vlt.u32 v4, $0xF8;
	v3 =	vadd.s32 s0, v3  }
0xd9: {  	v3 =	vadd.s32 v1, v3;
	_ =	sdelay $0x4  }
0xda: {  	[tilespmem:v3+s15+$0x0] =	vst.idx.msk vm0, v0  }
0xdb: {  	s1 =	smov.u32 s29;
	s0 =	simm.s32 $0x10;
	v3 =	vld [tilespmem:s29+$0x0]  }
.LBB2_29:
0xdc: {  	p0 =	sne.s32 s0, $0x70;
	_ =	sdelay $0x3  }
0xdd: {  	v4 =	vadd.s32 $0xFFFFFE10, v3;
	v3 =	vshll.u32 v3, $0x7  }
0xde: {  	vm0 =	vlt.u32 v4, $0xF8;
	v3 =	vadd.s32 s31, v3;
	s31 =	smov.u32 s0  }
0xdf: {  	v3 =	vadd.s32 v1, v3;
	_ =	sdelay $0x1  }
.Ltmp13:
0xe0: {  	(pc) =	sbr.rel @p0 .LBB2_29-.Ltmp13, $3  }
0xe1: {  	_ =	sdelay $0x1  }
0xe2: {  	s1 =	sadd.s32 $0x10, s1;
	[tilespmem:v3+s15+$0x0] =	vst.idx.msk vm0, v2  }
0xe3: {  	s0 =	sadd.s32 $0x10, s0;
	v3 =	vld [tilespmem:s1+$0x0]  }
0xe4: {  	_ =	sdelay $0x3  }
0xe5: {  	v4 =	vadd.s32 $0xFFFFFE10, v3;
	v3 =	vshll.u32 v3, $0x7  }
0xe6: {  	vm0 =	vlt.u32 v4, $0xF8;
	v3 =	vadd.s32 s31, v3  }
0xe7: {  	v3 =	vadd.s32 v1, v3;
	_ =	sdelay $0x4  }
0xe8: {  	s0 =	sadd.s32 s30, s9;
	[tilespmem:v3+s15+$0x0] =	vst.idx.msk vm0, v2  }
0xe9: {  	[hbm4b:s0+s16] =	stream.strided.scatter [tilespmem:s19], [sflag:$0x3], $0x7C00, s17, s16, $0x38;
	[tilespmem:$0x1F600] =	vst v63  }
0xea: {  	_ =	swait.ge [sflag:s24], $0x8000  }
0xeb: {  	[sflag:s24] =	ssyncset.done $0x0  }
0xec: {  	s1 =	simm.s32 $0x10;
	[sflag:s24] =	ssyncadd.s32 $0xFFFF8000  }
0xed: {  	s28 =	smov.u32 s3;
	s31 =	simm.s32 $0x0;
	s0 =	simm.s32 $0x0;
	v3 =	vld [tilespmem:s3+$0x0]  }
.LBB2_31:
0xee: {  	p0 =	sne.s32 s1, $0x70;
	_ =	sdelay $0x3  }
0xef: {  	v4 =	vadd.s32 $0xFFFFFD18, v3;
	v3 =	vshll.u32 v3, $0x7  }
0xf0: {  	vm0 =	vlt.u32 v4, $0x100;
	v3 =	vadd.s32 s0, v3;
	s0 =	smov.u32 s1  }
0xf1: {  	v3 =	vadd.s32 v1, v3;
	_ =	sdelay $0x1  }
.Ltmp14:
0xf2: {  	(pc) =	sbr.rel @p0 .LBB2_31-.Ltmp14, $3  }
0xf3: {  	_ =	sdelay $0x1  }
0xf4: {  	s28 =	sadd.s32 $0x10, s28;
	[tilespmem:v3+s15+$0x0] =	vst.idx.msk vm0, v0  }
0xf5: {  	s1 =	sadd.s32 $0x10, s1;
	v3 =	vld [tilespmem:s28+$0x0]  }
0xf6: {  	_ =	sdelay $0x3  }
0xf7: {  	v4 =	vadd.s32 $0xFFFFFD18, v3;
	v3 =	vshll.u32 v3, $0x7  }
0xf8: {  	vm0 =	vlt.u32 v4, $0x100;
	v3 =	vadd.s32 s0, v3  }
0xf9: {  	v3 =	vadd.s32 v1, v3;
	_ =	sdelay $0x4  }
0xfa: {  	[tilespmem:v3+s15+$0x0] =	vst.idx.msk vm0, v0  }
0xfb: {  	s1 =	smov.u32 s29;
	s0 =	simm.s32 $0x10;
	v3 =	vld [tilespmem:s29+$0x0]  }
.LBB2_33:
0xfc: {  	p0 =	sne.s32 s0, $0x70;
	_ =	sdelay $0x3  }
0xfd: {  	v4 =	vadd.s32 $0xFFFFFD18, v3;
	v3 =	vshll.u32 v3, $0x7  }
0xfe: {  	vm0 =	vlt.u32 v4, $0x100;
	v3 =	vadd.s32 s31, v3;
	s31 =	smov.u32 s0  }
0xff: {  	v3 =	vadd.s32 v1, v3;
	_ =	sdelay $0x1  }
.Ltmp15:
0x100: {  	(pc) =	sbr.rel @p0 .LBB2_33-.Ltmp15, $3  }
0x101: {  	_ =	sdelay $0x1  }
0x102: {  	s1 =	sadd.s32 $0x10, s1;
	[tilespmem:v3+s15+$0x0] =	vst.idx.msk vm0, v2  }
0x103: {  	s0 =	sadd.s32 $0x10, s0;
	v3 =	vld [tilespmem:s1+$0x0]  }
0x104: {  	_ =	sdelay $0x3  }
0x105: {  	v4 =	vadd.s32 $0xFFFFFD18, v3;
	v3 =	vshll.u32 v3, $0x7  }
0x106: {  	vm0 =	vlt.u32 v4, $0x100;
	v3 =	vadd.s32 s31, v3  }
0x107: {  	s26 =	sadd.s32 $0x1, s26;
	v3 =	vadd.s32 v1, v3  }
0x108: {  	p0 =	sne.s32 s26, $0x4  }
.Ltmp16:
0x109: {  	_ = 	snop;
	(pc) =	sbr.rel @p0 .LBB2_18-.Ltmp16, $3  }
0x10a: {  	_ =	sdelay $0x1  }
0x10b: {  	s0 =	sadd.s32 s30, s10;
	s3 =	sadd.s32 $0x80, s3;
	s29 =	sadd.s32 $0x80, s29;
	[tilespmem:v3+s15+$0x0] =	vst.idx.msk vm0, v2  }
0x10c: {  	[hbm4b:s0+s16] =	stream.strided.scatter [tilespmem:s20], [sflag:$0x4], $0x8000, s17, s16, $0x38;
	[tilespmem:$0x1F600] =	vst v63  }
0x10d: {  	_ =	swait.ge [sflag:s21], $0x7C00  }
0x10e: {  	[sflag:s21] =	ssyncset.done $0x0  }
0x10f: {  	[sflag:s21] =	ssyncadd.s32 $0xFFFF8400  }
0x110: {  	_ =	swait.ge [sflag:s22], $0x7C00  }
0x111: {  	[sflag:s22] =	ssyncset.done $0x0  }
0x112: {  	s25 =	sadd.s32 $0x1, s25;
	[sflag:s22] =	ssyncadd.s32 $0xFFFF8400  }
0x113: {  	p0 =	sne.s32 s25, s13;
	_ =	swait.ge [sflag:s23], $0x7C00  }
.Ltmp17:
0x114: {  	[sflag:s23] =	ssyncset.done $0x0;
	(pc) =	sbr.rel @p0 .LBB2_1-.Ltmp17, $4  }
0x115: {  	[sflag:s23] =	ssyncadd.s32 $0xFFFF8400  }
0x116: {  	_ =	swait.ge [sflag:s24], $0x8000  }
0x117: {  	[sflag:s24] =	ssyncset.done $0x0  }
0x118: {  	[sflag:s24] =	ssyncadd.s32 $0xFFFF8000  }
0x119: {  	_ =	sfence.sel $0x180000  }
0x11a: {  	[bflag:$0x0] =	sbarrier.arrive $0xFFFF  }
0x11b: {  	_ =	strace $0x90000047  }
0x11c: {  	s0 =	stileid.u32;
	[bflag:$0x2] =	sbarrier.arrive $0xFFFF  }
0x11d: {  	p0 =	sne.s32 s0, $0x0;
	s0 =	rddreg [dreg:$0x2]  }
0x11e: {  	s0 =	sadd.s32 @!p0 $0x100000, s0  }
0x11f: {  	[sflag:s0] =	ssyncadd.tile.s32 @!p0 $0x1;
	_ =	shalt  }
.Lfunc_end2:
_tile_overlayer_lowered:
.L_overlay_start_2:
0x120: {  	(tag) =	ssettag $0x2  }
0x121: {  	s0 =	rddreg [dreg:$0x0];
	s2 =	stileid.u32  }
0x122: {  	s1 =	rddreg [dreg:$0x1];
	p0 =	sne.s32 s2, $0x0  }
0x123: {  	s3 =	rddreg [dreg:$0x2];
	[bflag:$0x3] =	sbarrier.arrive $0xFFFF;
	s2 =	simm.s32 @!p0 $0x1C06  }
0x124: {  	[timem:s3], [sflag:s2] =	dma.local @!p0 [hbm:s0], s1  }
0x125: {  	s0 =	simm.s32 @!p0 $0x6  }
0x126: {  	_ =	swait.ge @!p0 [sflag:s0], s1  }
0x127: {  	s1 =	ssub.s32 @!p0 $0x0, s1;
	[sflag:s0] =	ssyncset.done @!p0 $0x0  }
0x128: {  	[sflag:s0] =	ssyncadd.s32 @!p0 s1  }
0x129: {  	[bflag:$0x3] =	sbarrier.arrive $0xFFFF  }
0x12a: {  	_ =	shalt  }

</sc_bundles>
